<compile_context>
chip_gen: v7x
topology: tpu7x:2x2x1
jax: 0.10.2.dev20260603
libtpu: 0.0.44.dev20260713+nightly
codegen_flags: <defaults>
</compile_context>

<pallas_src>
import functools

import jax
import jax.numpy as jnp
from jax import lax
from jax.experimental import pallas as pl
from jax.experimental.pallas import tpu as pltpu
from jax.experimental.pallas import tpu_sc as plsc

_N = 10000
_E = 320000
_D = 128
_NC = 2
_NS = 16
_NW = _NC * _NS
_NP = 10240
_RT = _NP // _NS

_CHUNK = 128
_KC0 = 118
_KC1 = 40
_E0 = _NS * _KC0 * _CHUNK
_E1 = _NS * _KC1 * _CHUNK

_KD = 80
_CD = 128
_EPD = _NW * _KD * _CD

_BR = 512


def _sc_mesh():
    return plsc.VectorSubcoreMesh(core_axis_name="c", subcore_axis_name="s")


@functools.partial(
    pl.kernel,
    out_type=jax.ShapeDtypeStruct((_NC, _NP), jnp.float32),
    mesh=_sc_mesh(),
    scratch_types=[
        pltpu.VMEM((_KD, _CD), jnp.int32),
        pltpu.VMEM((_CD,), jnp.float32),
        pltpu.VMEM((_RT,), jnp.float32),
        pltpu.VMEM_SHARED((_NP,), jnp.float32),
    ],
)
def _deg_kernel(dst_hbm, out_hbm, dstv, ones_v, zb, shist):
    cid = lax.axis_index("c")
    sid = lax.axis_index("s")
    wid = cid * _NS + sid
    pltpu.sync_copy(dst_hbm.at[pl.ds(wid * _KD, _KD)], dstv)

    def fill_ones(i, carry):
        ones_v[pl.ds(i * 16, 16)] = jnp.full((16,), 1.0, jnp.float32)
        return carry

    lax.fori_loop(0, _CD // 16, fill_ones, 0)

    def fill_zeros(i, carry):
        zb[pl.ds(i * 16, 16)] = jnp.zeros((16,), jnp.float32)
        return carry

    lax.fori_loop(0, _RT // 16, fill_zeros, 0)
    pltpu.sync_copy(zb, shist.at[pl.ds(sid * _RT, _RT)])
    plsc.subcore_barrier()

    def chunk(j, carry):
        pltpu.sync_copy(ones_v, shist.at[dstv.at[j]], add=True)
        return carry

    lax.fori_loop(0, _KD, chunk, 0)
    plsc.subcore_barrier()
    pltpu.sync_copy(shist.at[pl.ds(sid * _RT, _RT)],
                    out_hbm.at[cid, pl.ds(sid * _RT, _RT)])


@functools.partial(
    pl.kernel,
    out_type=jax.ShapeDtypeStruct((_NC, _NP, _D), jnp.float32),
    mesh=_sc_mesh(),
    scratch_types=[
        pltpu.VMEM((_KC0, _CHUNK), jnp.int32),
        pltpu.VMEM((_CHUNK,), jnp.int32),
        pltpu.VMEM((_CHUNK,), jnp.int32),
        pltpu.VMEM((_CHUNK,), jnp.int32),
        pltpu.VMEM((_CHUNK,), jnp.int32),
        pltpu.VMEM((_CHUNK, _D), jnp.float32),
        pltpu.VMEM((_CHUNK, _D), jnp.float32),
        pltpu.VMEM_SHARED((_NP, _D), jnp.float32),
        pltpu.SemaphoreType.DMA,
        pltpu.SemaphoreType.DMA,
    ],
)
def _agg_kernel(table_hbm, ed0_hbm, ed1_hbm, out_hbm,
                edv, src0, dst0, src1, dst1, rows0, rows1, acc, sem0, sem1):
    cid = lax.axis_index("c")
    sid = lax.axis_index("s")

    @pl.when(cid == 0)
    def _():
        pltpu.sync_copy(ed0_hbm.at[sid], edv)

    @pl.when(cid == 1)
    def _():
        pltpu.sync_copy(ed1_hbm.at[sid], edv.at[pl.ds(0, _KC1)])

    def zrow(i, carry):
        def zlane(k, c2):
            rows0[i, pl.ds(k * 16, 16)] = jnp.zeros((16,), jnp.float32)
            return c2
        return lax.fori_loop(0, _D // 16, zlane, carry)

    lax.fori_loop(0, _CHUNK, zrow, 0)

    def zcp(m, carry):
        pltpu.sync_copy(rows0, acc.at[pl.ds(sid * _RT + m * _CHUNK, _CHUNK)])
        return carry

    lax.fori_loop(0, _RT // _CHUNK, zcp, 0)
    plsc.subcore_barrier()

    def unpack(j, sbuf, dbuf):
        def lane(k, carry):
            v = edv[j, pl.ds(k * 16, 16)]
            sbuf[pl.ds(k * 16, 16)] = lax.shift_right_logical(v, 16)
            dbuf[pl.ds(k * 16, 16)] = lax.bitwise_and(v, 0xFFFF)
            return carry
        lax.fori_loop(0, _CHUNK // 16, lane, 0)

    def gather(sbuf, rows, sem):
        pltpu.async_copy(table_hbm.at[sbuf], rows, sem)

    def gwait(rows, sem):
        pltpu.make_async_copy(table_hbm.at[pl.ds(0, _CHUNK)], rows, sem).wait()

    unpack(0, src0, dst0)
    gather(src0, rows0, sem0)

    npairs = jnp.where(cid == 0, _KC0 // 2, _KC1 // 2)

    def pair(i, carry):
        j0 = 2 * i
        unpack(j0 + 1, src1, dst1)
        gather(src1, rows1, sem1)
        gwait(rows0, sem0)
        pltpu.sync_copy(rows0, acc.at[dst0], add=True)

        @pl.when(i < npairs - 1)
        def _():
            unpack(j0 + 2, src0, dst0)
            gather(src0, rows0, sem0)

        gwait(rows1, sem1)
        pltpu.sync_copy(rows1, acc.at[dst1], add=True)
        return carry

    lax.fori_loop(0, npairs, pair, 0)
    plsc.subcore_barrier()
    pltpu.sync_copy(acc.at[pl.ds(sid * _RT, _RT)],
                    out_hbm.at[cid, pl.ds(sid * _RT, _RT)])


def _dinv_of(degr):
    return lax.rsqrt(degr[0, :] + degr[1, :] + 1.0)


def _mm_scale_body(xr, wr, degr, ur):
    dinv = _dinv_of(degr)
    ur[...] = jnp.dot(xr[...], wr[...],
                      preferred_element_type=jnp.float32) * dinv[:, None]


def _ew_body(accr, ur, degr, br, outr):
    dinv = _dinv_of(degr)[:, None]
    g = dinv * (accr[0] + accr[1] + ur[...])
    outr[...] = jnp.maximum(g + br[...], 0.0) * dinv


def _fin_body(accr, ur, degr, wr, br, outr):
    dinv = _dinv_of(degr)[:, None]
    g = dinv * (accr[0] + accr[1] + ur[...])
    outr[...] = jnp.dot(g, wr[...],
                        preferred_element_type=jnp.float32) + br[...]


def _row_spec(cols):
    return pl.BlockSpec((_BR, cols), lambda i: (i, 0))


def _mm_scale(x_p, W, deg):
    return pl.pallas_call(
        _mm_scale_body,
        grid=(_NP // _BR,),
        in_specs=[
            _row_spec(_D),
            pl.BlockSpec((_D, _D), lambda i: (0, 0)),
            pl.BlockSpec((_NC, _BR), lambda i: (0, i)),
        ],
        out_specs=_row_spec(_D),
        out_shape=jax.ShapeDtypeStruct((_NP, _D), jnp.float32),
    )(x_p, W, deg)


def _ew(acc, u, deg, b):
    return pl.pallas_call(
        _ew_body,
        grid=(_NP // _BR,),
        in_specs=[
            pl.BlockSpec((_NC, _BR, _D), lambda i: (0, i, 0)),
            _row_spec(_D),
            pl.BlockSpec((_NC, _BR), lambda i: (0, i)),
            pl.BlockSpec((1, _D), lambda i: (0, 0)),
        ],
        out_specs=_row_spec(_D),
        out_shape=jax.ShapeDtypeStruct((_NP, _D), jnp.float32),
    )(acc, u, deg, b)


def _fin(acc, u, deg, Wcat, bcat):
    return pl.pallas_call(
        _fin_body,
        grid=(_NP // _BR,),
        in_specs=[
            pl.BlockSpec((_NC, _BR, _D), lambda i: (0, i, 0)),
            _row_spec(_D),
            pl.BlockSpec((_NC, _BR), lambda i: (0, i)),
            pl.BlockSpec((_D, 2 * _D), lambda i: (0, 0)),
            pl.BlockSpec((1, 2 * _D), lambda i: (0, 0)),
        ],
        out_specs=_row_spec(2 * _D),
        out_shape=jax.ShapeDtypeStruct((_NP, 2 * _D), jnp.float32),
    )(acc, u, deg, Wcat, bcat)


def kernel(x, edge_index, W1, b1, W_mu, b_mu, W_logstd, b_logstd):
    src = edge_index[0].astype(jnp.int32)
    dst = edge_index[1].astype(jnp.int32)
    packed = src * 65536 + dst
    padv = _N * 65536 + _N
    tail = packed[_E0:_E0 + _E1]
    pad_a = jnp.full((_E1 - tail.shape[0],), padv, jnp.int32)
    ed0 = packed[:_E0].reshape(_NS, _KC0, _CHUNK)
    ed1 = jnp.concatenate([tail, pad_a]).reshape(_NS, _KC1, _CHUNK)
    pad_d = jnp.full((_EPD - _E,), _N, jnp.int32)
    dst_d = jnp.concatenate([dst, pad_d]).reshape(_EPD // _CD, _CD)
    x_p = jnp.pad(x, ((0, _NP - _N), (0, 0)))

    deg = _deg_kernel(dst_d)
    u1 = _mm_scale(x_p, W1, deg)
    acc1 = _agg_kernel(u1, ed0, ed1)
    u2 = _ew(acc1, u1, deg, b1.reshape(1, _D))
    acc2 = _agg_kernel(u2, ed0, ed1)
    Wcat = jnp.concatenate([W_mu, W_logstd], axis=1)
    bcat = jnp.concatenate([b_mu, b_logstd]).reshape(1, 2 * _D)
    out = _fin(acc2, u2, deg, Wcat, bcat)
    return out[:_N, :_D], out[:_N, _D:]

# --- scband reference (transcript-rebuilt; emitter-appended) ---
"""Pipeline reference for scband-variational-gcnencoder-10282151706739 (READ-ONLY COPY).

The authoritative reference and input builder live on the scoring server;
editing this copy changes nothing except your own understanding.
"""

import jax, jax.numpy as jnp
import numpy as np

N = 10000
E = 320000
D_IN = 128
D_OUT = 128


def setup_inputs(seed: int = 0) -> dict:
    key = jax.random.key(seed)
    ks = jax.random.split(key, 8)
    x = jax.random.normal(ks[0], (N, D_IN), dtype=jnp.float32)
    edge_index = jax.random.randint(ks[1], (2, E), 0, N).astype(jnp.int64)
    # GCNConv parameters (weight [in, out], bias [out]) for conv1, conv_mu, conv_logstd
    W1 = jax.random.normal(ks[2], (D_IN, D_OUT), dtype=jnp.float32) * 0.05
    b1 = jnp.zeros((D_OUT,), dtype=jnp.float32)
    W_mu = jax.random.normal(ks[3], (D_OUT, D_OUT), dtype=jnp.float32) * 0.05
    b_mu = jnp.zeros((D_OUT,), dtype=jnp.float32)
    W_logstd = jax.random.normal(ks[4], (D_OUT, D_OUT), dtype=jnp.float32) * 0.05
    b_logstd = jnp.zeros((D_OUT,), dtype=jnp.float32)
    return {"x": x, "edge_index": edge_index, "W1": W1, "b1": b1,
            "W_mu": W_mu, "b_mu": b_mu, "W_logstd": W_logstd, "b_logstd": b_logstd}


def _gcn_conv(h, src, dst, n, W, b):
    # PyG GCNConv: linear transform, symmetric normalization with self-loops, scatter-add
    h = h @ W
    ones = jnp.ones((src.shape[0],), dtype=h.dtype)
    deg = jnp.zeros((n,), dtype=h.dtype).at[dst].add(ones)
    dinv = jnp.where(deg > 0, jax.lax.rsqrt(jnp.where(deg > 0, deg, 1.0)), 0.0)
    norm = dinv[src] * dinv[dst]
    msg = h[src] * norm[:, None]
    out = jnp.zeros((n, h.shape[1]), dtype=h.dtype).at[dst].add(msg)
    return out + b


def reference(x, edge_index, W1, b1, W_mu, b_mu, W_logstd, b_logstd):
    n = x.shape[0]
    loop = jnp.arange(n, dtype=edge_index.dtype)
    src = jnp.concatenate([edge_index[0], loop])
    dst = jnp.concatenate([edge_index[1], loop])
    h = jax.nn.relu(_gcn_conv(x, src, dst, n, W1, b1))
    mu = _gcn_conv(h, src, dst, n, W_mu, b_mu)
    logstd = _gcn_conv(h, src, dst, n, W_logstd, b_logstd)
    return (mu, logstd)

if __name__ == "__main__":
    import jax
    _d = setup_inputs()
    print(jax.jit(kernel)(*tuple(_d.values())))

</pallas_src>

<mosaic_0001>
#map = affine_map<(d0, d1) -> (0, 0)>
module attributes {stable_mosaic.version = 14 : i64} {
  func.func @_deg_kernel(%arg0: i32, %arg1: i32, %arg2: memref<2560x128xi32, #tpu.memory_space<hbm>>, %arg3: memref<2x10240xf32, #tpu.memory_space<hbm>>, %arg4: memref<80x128xi32, #tpu.memory_space<vmem>>, %arg5: memref<128xf32, #tpu.memory_space<vmem>>, %arg6: memref<640xf32, #tpu.memory_space<vmem>>, %arg7: memref<10240xf32, #tpu.memory_space<vmem_shared>>) attributes {dimension_semantics = [#tpu.dimension_semantics<core_parallel>, #tpu.dimension_semantics<subcore_parallel>], iteration_bounds = array<i64: 2, 16>, scalar_prefetch = 0 : i64, scratch_operands = 4 : i64, tpu.core_type = #tpu.core_type<sc_vector_subcore>, window_params = [{transform_indices = #map}, {transform_indices = #map}]} {
    %mul3A = arith.constant 16 : i32
    %mul3A_0 = arith.muli %arg0, %mul3A : i32
    %add3A = arith.addi %mul3A_0, %arg1 : i32
    %mul3A_1 = arith.constant 80 : i32
    %mul3A_2 = arith.muli %add3A, %mul3A_1 : i32
    "tpu.region"() ({
      %run_scoped3A = tpu.sem_alloc : memref<!tpu.dma_semaphore, #tpu.memory_space<semaphore_mem>>
      %dma_start3A = arith.constant 0 : i32
      %dma_start3A_27 = tpu.memref_slice %arg2[%mul3A_2, %dma_start3A] : memref<2560x128xi32, #tpu.memory_space<hbm>> -> memref<80x128xi32, #tpu.memory_space<hbm>>
      %dma_start3A_28 = arith.constant 0 : i32
      %dma_start3A_29 = tpu.memref_slice %arg2[%mul3A_2, %dma_start3A_28] : memref<2560x128xi32, #tpu.memory_space<hbm>> -> memref<80x128xi32, #tpu.memory_space<hbm>>
      tpu.enqueue_dma source(%dma_start3A_29 : memref<80x128xi32, #tpu.memory_space<hbm>>) target(%arg4 : memref<80x128xi32, #tpu.memory_space<vmem>>) target_semaphore(%run_scoped3A : memref<!tpu.dma_semaphore, #tpu.memory_space<semaphore_mem>>)
      %dma_wait3A = arith.constant 0 : i32
      %dma_wait3A_30 = tpu.memref_slice %arg2[%mul3A_2, %dma_wait3A] : memref<2560x128xi32, #tpu.memory_space<hbm>> -> memref<80x128xi32, #tpu.memory_space<hbm>>
      %dma_wait3A_31 = arith.constant 0 : i32
      %dma_wait3A_32 = tpu.memref_slice %arg2[%mul3A_2, %dma_wait3A_31] : memref<2560x128xi32, #tpu.memory_space<hbm>> -> memref<80x128xi32, #tpu.memory_space<hbm>>
      tpu.wait_dma2 semaphore(%run_scoped3A : memref<!tpu.dma_semaphore, #tpu.memory_space<semaphore_mem>>) src(%dma_wait3A_32 : memref<80x128xi32, #tpu.memory_space<hbm>>) dst(%arg4 : memref<80x128xi32, #tpu.memory_space<vmem>>)
      tpu.yield
    }) : () -> ()
    %scan3A = arith.constant 0 : i32
    %scan3A_3 = arith.constant 0 : i32
    %scan3A_4 = arith.constant 8 : i32
    %scan3A_5 = arith.addi %scan3A_3, %scan3A_4 : i32
    %scan3A_6 = arith.constant 1 : i32
    scf.for %scan3A_27 = %scan3A_3 to %scan3A_5 step %scan3A_6  : i32 {
      %broadcast_in_dim3A = arith.constant 1.000000e+00 : f32
      %broadcast_in_dim3A_28 = vector.broadcast %broadcast_in_dim3A : f32 to vector<16xf32>
      %mul3A_29 = arith.constant 16 : i32
      %mul3A_30 = arith.muli %scan3A_27, %mul3A_29 : i32
      %swap3A = arith.index_cast %mul3A_30 : i32 to index
      %swap3A_31 = tpu.vector_load %arg5[%swap3A] {strides = array<i32>} : memref<128xf32, #tpu.memory_space<vmem>>, vector<16xf32>,
      %swap3A_32 = vector.shape_cast %swap3A_31 : vector<16xf32> to vector<16xf32>
      %swap3A_33 = vector.shape_cast %broadcast_in_dim3A_28 : vector<16xf32> to vector<16xf32>
      tpu.vector_store %arg5[%swap3A], %swap3A_33 {strides = array<i32>} : memref<128xf32, #tpu.memory_space<vmem>>, vector<16xf32>,
    }
    %scan3A_7 = arith.constant 8 : i32
    %scan3A_8 = arith.constant 0 : i32
    %scan3A_9 = arith.constant 0 : i32
    %scan3A_10 = arith.constant 40 : i32
    %scan3A_11 = arith.addi %scan3A_9, %scan3A_10 : i32
    %scan3A_12 = arith.constant 1 : i32
    scf.for %scan3A_27 = %scan3A_9 to %scan3A_11 step %scan3A_12  : i32 {
      %broadcast_in_dim3A = arith.constant 0.000000e+00 : f32
      %broadcast_in_dim3A_28 = vector.broadcast %broadcast_in_dim3A : f32 to vector<16xf32>
      %mul3A_29 = arith.constant 16 : i32
      %mul3A_30 = arith.muli %scan3A_27, %mul3A_29 : i32
      %swap3A = arith.index_cast %mul3A_30 : i32 to index
      %swap3A_31 = tpu.vector_load %arg6[%swap3A] {strides = array<i32>} : memref<640xf32, #tpu.memory_space<vmem>>, vector<16xf32>,
      %swap3A_32 = vector.shape_cast %swap3A_31 : vector<16xf32> to vector<16xf32>
      %swap3A_33 = vector.shape_cast %broadcast_in_dim3A_28 : vector<16xf32> to vector<16xf32>
      tpu.vector_store %arg6[%swap3A], %swap3A_33 {strides = array<i32>} : memref<640xf32, #tpu.memory_space<vmem>>, vector<16xf32>,
    }
    %scan3A_13 = arith.constant 40 : i32
    %mul3A_14 = arith.constant 640 : i32
    %mul3A_15 = arith.muli %arg1, %mul3A_14 : i32
    "tpu.region"() ({
      %run_scoped3A = tpu.sem_alloc : memref<!tpu.dma_semaphore, #tpu.memory_space<semaphore_mem>>
      %dma_start3A = tpu.memref_slice %arg7[%mul3A_15] : memref<10240xf32, #tpu.memory_space<vmem_shared>> -> memref<640xf32, #tpu.memory_space<vmem_shared>>
      %dma_start3A_27 = tpu.memref_slice %arg7[%mul3A_15] : memref<10240xf32, #tpu.memory_space<vmem_shared>> -> memref<640xf32, #tpu.memory_space<vmem_shared>>
      tpu.enqueue_dma source(%arg6 : memref<640xf32, #tpu.memory_space<vmem>>) target(%dma_start3A_27 : memref<640xf32, #tpu.memory_space<vmem_shared>>) target_semaphore(%run_scoped3A : memref<!tpu.dma_semaphore, #tpu.memory_space<semaphore_mem>>)
      %dma_wait3A = tpu.memref_slice %arg7[%mul3A_15] : memref<10240xf32, #tpu.memory_space<vmem_shared>> -> memref<640xf32, #tpu.memory_space<vmem_shared>>
      %dma_wait3A_28 = tpu.memref_slice %arg7[%mul3A_15] : memref<10240xf32, #tpu.memory_space<vmem_shared>> -> memref<640xf32, #tpu.memory_space<vmem_shared>>
      tpu.wait_dma2 semaphore(%run_scoped3A : memref<!tpu.dma_semaphore, #tpu.memory_space<semaphore_mem>>) src(%arg6 : memref<640xf32, #tpu.memory_space<vmem>>) dst(%dma_wait3A_28 : memref<640xf32, #tpu.memory_space<vmem_shared>>)
      tpu.yield
    }) : () -> ()
    %barrier3A = arith.constant 0 : index
    tpu.barrier barrier_id(%barrier3A)
    %scan3A_16 = arith.constant 0 : i32
    %scan3A_17 = arith.constant 0 : i32
    %scan3A_18 = arith.constant 80 : i32
    %scan3A_19 = arith.addi %scan3A_17, %scan3A_18 : i32
    %scan3A_20 = arith.constant 1 : i32
    scf.for %scan3A_27 = %scan3A_17 to %scan3A_19 step %scan3A_20  : i32 {
      "tpu.region"() ({
        %run_scoped3A = tpu.sem_alloc : memref<!tpu.dma_semaphore, #tpu.memory_space<semaphore_mem>>
        %dma_start3A = arith.constant 0 : i32
        %dma_start3A_28 = tpu.memref_slice %arg4[%scan3A_27, %dma_start3A] : memref<80x128xi32, #tpu.memory_space<vmem>> -> memref<1x128xi32, #tpu.memory_space<vmem>>
        %dma_start3A_29 = tpu.memref_squeeze %dma_start3A_28 : memref<1x128xi32, #tpu.memory_space<vmem>> -> memref<128xi32, #tpu.memory_space<vmem>>
        %dma_start3A_30 = arith.constant 0 : i32
        %dma_start3A_31 = tpu.memref_slice %arg7[%dma_start3A_30] : memref<10240xf32, #tpu.memory_space<vmem_shared>> -> memref<10240xf32, #tpu.memory_space<vmem_shared>>
        tpu.enqueue_indirect_dma source(%arg5 : memref<128xf32, #tpu.memory_space<vmem>>) target(%dma_start3A_31 : memref<10240xf32, #tpu.memory_space<vmem_shared>>) offsets(%dma_start3A_29 : memref<128xi32, #tpu.memory_space<vmem>>) semaphore(%run_scoped3A : memref<!tpu.dma_semaphore, #tpu.memory_space<semaphore_mem>>) {add = true}
        %dma_wait3A = arith.constant 0 : i32
        %dma_wait3A_32 = tpu.memref_slice %arg4[%scan3A_27, %dma_wait3A] : memref<80x128xi32, #tpu.memory_space<vmem>> -> memref<1x128xi32, #tpu.memory_space<vmem>>
        %dma_wait3A_33 = tpu.memref_squeeze %dma_wait3A_32 : memref<1x128xi32, #tpu.memory_space<vmem>> -> memref<128xi32, #tpu.memory_space<vmem>>
        %dma_wait3A_34 = arith.constant 0 : i32
        %dma_wait3A_35 = tpu.memref_slice %arg7[%dma_wait3A_34] : memref<10240xf32, #tpu.memory_space<vmem_shared>> -> memref<10240xf32, #tpu.memory_space<vmem_shared>>
        tpu.wait_indirect_dma semaphore(%run_scoped3A : memref<!tpu.dma_semaphore, #tpu.memory_space<semaphore_mem>>) src(%arg5 : memref<128xf32, #tpu.memory_space<vmem>>) dst(%dma_wait3A_35 : memref<10240xf32, #tpu.memory_space<vmem_shared>>)
        tpu.yield
      }) : () -> ()
    }
    %scan3A_21 = arith.constant 80 : i32
    %barrier3A_22 = arith.constant 0 : index
    tpu.barrier barrier_id(%barrier3A_22)
    %mul3A_23 = arith.constant 640 : i32
    %mul3A_24 = arith.muli %arg1, %mul3A_23 : i32
    %mul3A_25 = arith.constant 640 : i32
    %mul3A_26 = arith.muli %arg1, %mul3A_25 : i32
    "tpu.region"() ({
      %run_scoped3A = tpu.sem_alloc : memref<!tpu.dma_semaphore, #tpu.memory_space<semaphore_mem>>
      %dma_start3A = tpu.memref_slice %arg3[%arg0, %mul3A_26] : memref<2x10240xf32, #tpu.memory_space<hbm>> -> memref<1x640xf32, #tpu.memory_space<hbm>>
      %dma_start3A_27 = tpu.memref_squeeze %dma_start3A : memref<1x640xf32, #tpu.memory_space<hbm>> -> memref<640xf32, #tpu.memory_space<hbm>>
      %dma_start3A_28 = tpu.memref_slice %arg7[%mul3A_24] : memref<10240xf32, #tpu.memory_space<vmem_shared>> -> memref<640xf32, #tpu.memory_space<vmem_shared>>
      tpu.enqueue_dma source(%dma_start3A_28 : memref<640xf32, #tpu.memory_space<vmem_shared>>) target(%dma_start3A_27 : memref<640xf32, #tpu.memory_space<hbm>>) target_semaphore(%run_scoped3A : memref<!tpu.dma_semaphore, #tpu.memory_space<semaphore_mem>>)
      %dma_wait3A = tpu.memref_slice %arg3[%arg0, %mul3A_26] : memref<2x10240xf32, #tpu.memory_space<hbm>> -> memref<1x640xf32, #tpu.memory_space<hbm>>
      %dma_wait3A_29 = tpu.memref_squeeze %dma_wait3A : memref<1x640xf32, #tpu.memory_space<hbm>> -> memref<640xf32, #tpu.memory_space<hbm>>
      %dma_wait3A_30 = tpu.memref_slice %arg7[%mul3A_24] : memref<10240xf32, #tpu.memory_space<vmem_shared>> -> memref<640xf32, #tpu.memory_space<vmem_shared>>
      tpu.wait_dma2 semaphore(%run_scoped3A : memref<!tpu.dma_semaphore, #tpu.memory_space<semaphore_mem>>) src(%dma_wait3A_30 : memref<640xf32, #tpu.memory_space<vmem_shared>>) dst(%dma_wait3A_29 : memref<640xf32, #tpu.memory_space<hbm>>)
      tpu.yield
    }) : () -> ()
    return
  }
}

#map = affine_map<(d0, d1) -> (0, 0)>
#map1 = affine_map<(d0, d1) -> (0, 0, 0)>
module attributes {stable_mosaic.version = 14 : i64} {
  func.func @_agg_kernel(%arg0: i32, %arg1: i32, %arg2: memref<10240x128xf32, #tpu.memory_space<hbm>>, %arg3: memref<16x118x128xi32, #tpu.memory_space<hbm>>, %arg4: memref<16x40x128xi32, #tpu.memory_space<hbm>>, %arg5: memref<2x10240x128xf32, #tpu.memory_space<hbm>>, %arg6: memref<118x128xi32, #tpu.memory_space<vmem>>, %arg7: memref<128xi32, #tpu.memory_space<vmem>>, %arg8: memref<128xi32, #tpu.memory_space<vmem>>, %arg9: memref<128xi32, #tpu.memory_space<vmem>>, %arg10: memref<128xi32, #tpu.memory_space<vmem>>, %arg11: memref<128x128xf32, #tpu.memory_space<vmem>>, %arg12: memref<128x128xf32, #tpu.memory_space<vmem>>, %arg13: memref<10240x128xf32, #tpu.memory_space<vmem_shared>>, %arg14: memref<!tpu.dma_semaphore, #tpu.memory_space<semaphore_mem>>, %arg15: memref<!tpu.dma_semaphore, #tpu.memory_space<semaphore_mem>>) attributes {dimension_semantics = [#tpu.dimension_semantics<core_parallel>, #tpu.dimension_semantics<subcore_parallel>], iteration_bounds = array<i64: 2, 16>, scalar_prefetch = 0 : i64, scratch_operands = 10 : i64, tpu.core_type = #tpu.core_type<sc_vector_subcore>, window_params = [{transform_indices = #map}, {transform_indices = #map1}, {transform_indices = #map1}, {transform_indices = #map1}]} {
    %eq3A = arith.constant 0 : i32
    %eq3A_0 = arith.cmpi eq, %arg0, %eq3A : i32
    %convert_element_type3A = arith.extui %eq3A_0 : i1 to i32
    %cond3A = arith.constant 0 : i32
    %cond3A_1 = arith.cmpi ne, %convert_element_type3A, %cond3A : i32
    scf.if %cond3A_1 {
      "tpu.region"() ({
        %run_scoped3A = tpu.sem_alloc : memref<!tpu.dma_semaphore, #tpu.memory_space<semaphore_mem>>
        %dma_start3A_42 = arith.constant 0 : i32
        %dma_start3A_43 = arith.constant 0 : i32
        %dma_start3A_44 = tpu.memref_slice %arg3[%arg1, %dma_start3A_42, %dma_start3A_43] : memref<16x118x128xi32, #tpu.memory_space<hbm>> -> memref<1x118x128xi32, #tpu.memory_space<hbm>>
        %dma_start3A_45 = tpu.memref_squeeze %dma_start3A_44 : memref<1x118x128xi32, #tpu.memory_space<hbm>> -> memref<118x128xi32, #tpu.memory_space<hbm>>
        %dma_start3A_46 = arith.constant 0 : i32
        %dma_start3A_47 = arith.constant 0 : i32
        %dma_start3A_48 = tpu.memref_slice %arg3[%arg1, %dma_start3A_46, %dma_start3A_47] : memref<16x118x128xi32, #tpu.memory_space<hbm>> -> memref<1x118x128xi32, #tpu.memory_space<hbm>>
        %dma_start3A_49 = tpu.memref_squeeze %dma_start3A_48 : memref<1x118x128xi32, #tpu.memory_space<hbm>> -> memref<118x128xi32, #tpu.memory_space<hbm>>
        tpu.enqueue_dma source(%dma_start3A_49 : memref<118x128xi32, #tpu.memory_space<hbm>>) target(%arg6 : memref<118x128xi32, #tpu.memory_space<vmem>>) target_semaphore(%run_scoped3A : memref<!tpu.dma_semaphore, #tpu.memory_space<semaphore_mem>>)
        %dma_wait3A = arith.constant 0 : i32
        %dma_wait3A_50 = arith.constant 0 : i32
        %dma_wait3A_51 = tpu.memref_slice %arg3[%arg1, %dma_wait3A, %dma_wait3A_50] : memref<16x118x128xi32, #tpu.memory_space<hbm>> -> memref<1x118x128xi32, #tpu.memory_space<hbm>>
        %dma_wait3A_52 = tpu.memref_squeeze %dma_wait3A_51 : memref<1x118x128xi32, #tpu.memory_space<hbm>> -> memref<118x128xi32, #tpu.memory_space<hbm>>
        %dma_wait3A_53 = arith.constant 0 : i32
        %dma_wait3A_54 = arith.constant 0 : i32
        %dma_wait3A_55 = tpu.memref_slice %arg3[%arg1, %dma_wait3A_53, %dma_wait3A_54] : memref<16x118x128xi32, #tpu.memory_space<hbm>> -> memref<1x118x128xi32, #tpu.memory_space<hbm>>
        %dma_wait3A_56 = tpu.memref_squeeze %dma_wait3A_55 : memref<1x118x128xi32, #tpu.memory_space<hbm>> -> memref<118x128xi32, #tpu.memory_space<hbm>>
        tpu.wait_dma2 semaphore(%run_scoped3A : memref<!tpu.dma_semaphore, #tpu.memory_space<semaphore_mem>>) src(%dma_wait3A_56 : memref<118x128xi32, #tpu.memory_space<hbm>>) dst(%arg6 : memref<118x128xi32, #tpu.memory_space<vmem>>)
        tpu.yield
      }) : () -> ()
    } else {
    }
    %eq3A_2 = arith.constant 1 : i32
    %eq3A_3 = arith.cmpi eq, %arg0, %eq3A_2 : i32
    %convert_element_type3A_4 = arith.extui %eq3A_3 : i1 to i32
    %cond3A_5 = arith.constant 0 : i32
    %cond3A_6 = arith.cmpi ne, %convert_element_type3A_4, %cond3A_5 : i32
    scf.if %cond3A_6 {
      "tpu.region"() ({
        %run_scoped3A = tpu.sem_alloc : memref<!tpu.dma_semaphore, #tpu.memory_space<semaphore_mem>>
        %dma_start3A_42 = arith.constant 0 : i32
        %dma_start3A_43 = arith.constant 0 : i32
        %dma_start3A_44 = tpu.memref_slice %arg6[%dma_start3A_42, %dma_start3A_43] : memref<118x128xi32, #tpu.memory_space<vmem>> -> memref<40x128xi32, #tpu.memory_space<vmem>>
        %dma_start3A_45 = arith.constant 0 : i32
        %dma_start3A_46 = arith.constant 0 : i32
        %dma_start3A_47 = tpu.memref_slice %arg4[%arg1, %dma_start3A_45, %dma_start3A_46] : memref<16x40x128xi32, #tpu.memory_space<hbm>> -> memref<1x40x128xi32, #tpu.memory_space<hbm>>
        %dma_start3A_48 = tpu.memref_squeeze %dma_start3A_47 : memref<1x40x128xi32, #tpu.memory_space<hbm>> -> memref<40x128xi32, #tpu.memory_space<hbm>>
        %dma_start3A_49 = arith.constant 0 : i32
        %dma_start3A_50 = arith.constant 0 : i32
        %dma_start3A_51 = tpu.memref_slice %arg6[%dma_start3A_49, %dma_start3A_50] : memref<118x128xi32, #tpu.memory_space<vmem>> -> memref<40x128xi32, #tpu.memory_space<vmem>>
        %dma_start3A_52 = arith.constant 0 : i32
        %dma_start3A_53 = arith.constant 0 : i32
        %dma_start3A_54 = tpu.memref_slice %arg4[%arg1, %dma_start3A_52, %dma_start3A_53] : memref<16x40x128xi32, #tpu.memory_space<hbm>> -> memref<1x40x128xi32, #tpu.memory_space<hbm>>
        %dma_start3A_55 = tpu.memref_squeeze %dma_start3A_54 : memref<1x40x128xi32, #tpu.memory_space<hbm>> -> memref<40x128xi32, #tpu.memory_space<hbm>>
        tpu.enqueue_dma source(%dma_start3A_55 : memref<40x128xi32, #tpu.memory_space<hbm>>) target(%dma_start3A_51 : memref<40x128xi32, #tpu.memory_space<vmem>>) target_semaphore(%run_scoped3A : memref<!tpu.dma_semaphore, #tpu.memory_space<semaphore_mem>>)
        %dma_wait3A = arith.constant 0 : i32
        %dma_wait3A_56 = arith.constant 0 : i32
        %dma_wait3A_57 = tpu.memref_slice %arg6[%dma_wait3A, %dma_wait3A_56] : memref<118x128xi32, #tpu.memory_space<vmem>> -> memref<40x128xi32, #tpu.memory_space<vmem>>
        %dma_wait3A_58 = arith.constant 0 : i32
        %dma_wait3A_59 = arith.constant 0 : i32
        %dma_wait3A_60 = tpu.memref_slice %arg4[%arg1, %dma_wait3A_58, %dma_wait3A_59] : memref<16x40x128xi32, #tpu.memory_space<hbm>> -> memref<1x40x128xi32, #tpu.memory_space<hbm>>
        %dma_wait3A_61 = tpu.memref_squeeze %dma_wait3A_60 : memref<1x40x128xi32, #tpu.memory_space<hbm>> -> memref<40x128xi32, #tpu.memory_space<hbm>>
        %dma_wait3A_62 = arith.constant 0 : i32
        %dma_wait3A_63 = arith.constant 0 : i32
        %dma_wait3A_64 = tpu.memref_slice %arg6[%dma_wait3A_62, %dma_wait3A_63] : memref<118x128xi32, #tpu.memory_space<vmem>> -> memref<40x128xi32, #tpu.memory_space<vmem>>
        %dma_wait3A_65 = arith.constant 0 : i32
        %dma_wait3A_66 = arith.constant 0 : i32
        %dma_wait3A_67 = tpu.memref_slice %arg4[%arg1, %dma_wait3A_65, %dma_wait3A_66] : memref<16x40x128xi32, #tpu.memory_space<hbm>> -> memref<1x40x128xi32, #tpu.memory_space<hbm>>
        %dma_wait3A_68 = tpu.memref_squeeze %dma_wait3A_67 : memref<1x40x128xi32, #tpu.memory_space<hbm>> -> memref<40x128xi32, #tpu.memory_space<hbm>>
        tpu.wait_dma2 semaphore(%run_scoped3A : memref<!tpu.dma_semaphore, #tpu.memory_space<semaphore_mem>>) src(%dma_wait3A_68 : memref<40x128xi32, #tpu.memory_space<hbm>>) dst(%dma_wait3A_64 : memref<40x128xi32, #tpu.memory_space<vmem>>)
        tpu.yield
      }) : () -> ()
    } else {
    }
    %scan3A = arith.constant 0 : i32
    %scan3A_7 = arith.constant 0 : i32
    %scan3A_8 = arith.constant 128 : i32
    %scan3A_9 = arith.addi %scan3A_7, %scan3A_8 : i32
    %scan3A_10 = arith.constant 1 : i32
    scf.for %scan3A_42 = %scan3A_7 to %scan3A_9 step %scan3A_10  : i32 {
      %scan3A_43 = arith.constant 0 : i32
      %scan3A_44 = arith.constant 8 : i32
      %scan3A_45 = arith.addi %scan3A_43, %scan3A_44 : i32
      %scan3A_46 = arith.constant 1 : i32
      scf.for %scan3A_48 = %scan3A_43 to %scan3A_45 step %scan3A_46  : i32 {
        %broadcast_in_dim3A = arith.constant 0.000000e+00 : f32
        %broadcast_in_dim3A_49 = vector.broadcast %broadcast_in_dim3A : f32 to vector<16xf32>
        %mul3A_50 = arith.constant 16 : i32
        %mul3A_51 = arith.muli %scan3A_48, %mul3A_50 : i32
        %swap3A = arith.index_cast %scan3A_42 : i32 to index
        %swap3A_52 = arith.index_cast %mul3A_51 : i32 to index
        %swap3A_53 = tpu.vector_load %arg11[%swap3A, %swap3A_52] {strides = array<i32>} : memref<128x128xf32, #tpu.memory_space<vmem>>, vector<1x16xf32>,
        %swap3A_54 = vector.shape_cast %swap3A_53 : vector<1x16xf32> to vector<16xf32>
        %swap3A_55 = vector.shape_cast %broadcast_in_dim3A_49 : vector<16xf32> to vector<1x16xf32>
        tpu.vector_store %arg11[%swap3A, %swap3A_52], %swap3A_55 {strides = array<i32>} : memref<128x128xf32, #tpu.memory_space<vmem>>, vector<1x16xf32>,
      }
      %scan3A_47 = arith.constant 8 : i32
    }
    %scan3A_11 = arith.constant 128 : i32
    %scan3A_12 = arith.constant 0 : i32
    %scan3A_13 = arith.constant 0 : i32
    %scan3A_14 = arith.constant 5 : i32
    %scan3A_15 = arith.addi %scan3A_13, %scan3A_14 : i32
    %scan3A_16 = arith.constant 1 : i32
    scf.for %scan3A_42 = %scan3A_13 to %scan3A_15 step %scan3A_16  : i32 {
      %mul3A_43 = arith.constant 640 : i32
      %mul3A_44 = arith.muli %arg1, %mul3A_43 : i32
      %mul3A_45 = arith.constant 128 : i32
      %mul3A_46 = arith.muli %scan3A_42, %mul3A_45 : i32
      %add3A = arith.addi %mul3A_44, %mul3A_46 : i32
      "tpu.region"() ({
        %run_scoped3A = tpu.sem_alloc : memref<!tpu.dma_semaphore, #tpu.memory_space<semaphore_mem>>
        %dma_start3A_47 = arith.constant 0 : i32
        %dma_start3A_48 = tpu.memref_slice %arg13[%add3A, %dma_start3A_47] : memref<10240x128xf32, #tpu.memory_space<vmem_shared>> -> memref<128x128xf32, #tpu.memory_space<vmem_shared>>
        %dma_start3A_49 = arith.constant 0 : i32
        %dma_start3A_50 = tpu.memref_slice %arg13[%add3A, %dma_start3A_49] : memref<10240x128xf32, #tpu.memory_space<vmem_shared>> -> memref<128x128xf32, #tpu.memory_space<vmem_shared>>
        tpu.enqueue_dma source(%arg11 : memref<128x128xf32, #tpu.memory_space<vmem>>) target(%dma_start3A_50 : memref<128x128xf32, #tpu.memory_space<vmem_shared>>) target_semaphore(%run_scoped3A : memref<!tpu.dma_semaphore, #tpu.memory_space<semaphore_mem>>)
        %dma_wait3A = arith.constant 0 : i32
        %dma_wait3A_51 = tpu.memref_slice %arg13[%add3A, %dma_wait3A] : memref<10240x128xf32, #tpu.memory_space<vmem_shared>> -> memref<128x128xf32, #tpu.memory_space<vmem_shared>>
        %dma_wait3A_52 = arith.constant 0 : i32
        %dma_wait3A_53 = tpu.memref_slice %arg13[%add3A, %dma_wait3A_52] : memref<10240x128xf32, #tpu.memory_space<vmem_shared>> -> memref<128x128xf32, #tpu.memory_space<vmem_shared>>
        tpu.wait_dma2 semaphore(%run_scoped3A : memref<!tpu.dma_semaphore, #tpu.memory_space<semaphore_mem>>) src(%arg11 : memref<128x128xf32, #tpu.memory_space<vmem>>) dst(%dma_wait3A_53 : memref<128x128xf32, #tpu.memory_space<vmem_shared>>)
        tpu.yield
      }) : () -> ()
    }
    %scan3A_17 = arith.constant 5 : i32
    %barrier3A = arith.constant 0 : index
    tpu.barrier barrier_id(%barrier3A)
    %scan3A_18 = arith.constant 0 : i32
    %scan3A_19 = arith.constant 0 : i32
    %scan3A_20 = arith.constant 8 : i32
    %scan3A_21 = arith.addi %scan3A_19, %scan3A_20 : i32
    %scan3A_22 = arith.constant 1 : i32
    scf.for %scan3A_42 = %scan3A_19 to %scan3A_21 step %scan3A_22  : i32 {
      %mul3A_43 = arith.constant 16 : i32
      %mul3A_44 = arith.muli %scan3A_42, %mul3A_43 : i32
      %get3A = arith.constant 0 : i32
      %get3A_45 = arith.index_cast %get3A : i32 to index
      %get3A_46 = arith.index_cast %mul3A_44 : i32 to index
      %get3A_47 = tpu.vector_load %arg6[%get3A_45, %get3A_46] {strides = array<i32>} : memref<118x128xi32, #tpu.memory_space<vmem>>, vector<1x16xi32>,
      %get3A_48 = vector.shape_cast %get3A_47 : vector<1x16xi32> to vector<16xi32>
      %shift_right_logical3A = arith.constant 16 : i32
      %shift_right_logical3A_49 = vector.broadcast %shift_right_logical3A : i32 to vector<16xi32>
      %shift_right_logical3A_50 = arith.shrui %get3A_48, %shift_right_logical3A_49 : vector<16xi32>
      %mul3A_51 = arith.constant 16 : i32
      %mul3A_52 = arith.muli %scan3A_42, %mul3A_51 : i32
      %swap3A = arith.index_cast %mul3A_52 : i32 to index
      %swap3A_53 = tpu.vector_load %arg7[%swap3A] {strides = array<i32>} : memref<128xi32, #tpu.memory_space<vmem>>, vector<16xi32>,
      %swap3A_54 = vector.shape_cast %swap3A_53 : vector<16xi32> to vector<16xi32>
      %swap3A_55 = vector.shape_cast %shift_right_logical3A_50 : vector<16xi32> to vector<16xi32>
      tpu.vector_store %arg7[%swap3A], %swap3A_55 {strides = array<i32>} : memref<128xi32, #tpu.memory_space<vmem>>, vector<16xi32>,
      %and3A = arith.constant 65535 : i32
      %and3A_56 = vector.broadcast %and3A : i32 to vector<16xi32>
      %and3A_57 = arith.andi %get3A_48, %and3A_56 : vector<16xi32>
      %mul3A_58 = arith.constant 16 : i32
      %mul3A_59 = arith.muli %scan3A_42, %mul3A_58 : i32
      %swap3A_60 = arith.index_cast %mul3A_59 : i32 to index
      %swap3A_61 = tpu.vector_load %arg8[%swap3A_60] {strides = array<i32>} : memref<128xi32, #tpu.memory_space<vmem>>, vector<16xi32>,
      %swap3A_62 = vector.shape_cast %swap3A_61 : vector<16xi32> to vector<16xi32>
      %swap3A_63 = vector.shape_cast %and3A_57 : vector<16xi32> to vector<16xi32>
      tpu.vector_store %arg8[%swap3A_60], %swap3A_63 {strides = array<i32>} : memref<128xi32, #tpu.memory_space<vmem>>, vector<16xi32>,
    }
    %scan3A_23 = arith.constant 8 : i32
    %dma_start3A = arith.constant 0 : i32
    %dma_start3A_24 = arith.constant 0 : i32
    %dma_start3A_25 = tpu.memref_slice %arg2[%dma_start3A, %dma_start3A_24] : memref<10240x128xf32, #tpu.memory_space<hbm>> -> memref<10240x128xf32, #tpu.memory_space<hbm>>
    tpu.enqueue_indirect_dma source(%dma_start3A_25 : memref<10240x128xf32, #tpu.memory_space<hbm>>) target(%arg11 : memref<128x128xf32, #tpu.memory_space<vmem>>) offsets(%arg7 : memref<128xi32, #tpu.memory_space<vmem>>) semaphore(%arg14 : memref<!tpu.dma_semaphore, #tpu.memory_space<semaphore_mem>>)
    %eq3A_26 = arith.constant 0 : i32
    %eq3A_27 = arith.cmpi eq, %arg0, %eq3A_26 : i32
    %jit3A = arith.constant 59 : i32
    %jit3A_28 = arith.constant 20 : i32
    %select_n3A = arith.select %eq3A_27, %jit3A, %jit3A_28 : i32
    %while3A = arith.constant 0 : i32
    %while3A_29 = arith.constant 0 : i32
    %while3A_30 = arith.subi %select_n3A, %while3A_29 : i32
    %while3A_31 = arith.addi %while3A_29, %while3A_30 : i32
    %while3A_32 = arith.constant 1 : i32
    %while3A_33 = arith.divsi %while3A_30, %while3A_32 : i32
    %while3A_34 = arith.muli %while3A_33, %while3A_32 : i32
    %while3A_35 = arith.addi %while3A_29, %while3A_34 : i32
    %while3A_36 = arith.constant 1 : i32
    scf.for %while3A_42 = %while3A_29 to %while3A_35 step %while3A_36  : i32 {
      %mul3A_43 = arith.constant 2 : i32
      %mul3A_44 = arith.muli %mul3A_43, %while3A_42 : i32
      %add3A = arith.constant 1 : i32
      %add3A_45 = arith.addi %mul3A_44, %add3A : i32
      %scan3A_46 = arith.constant 0 : i32
      %scan3A_47 = arith.constant 0 : i32
      %scan3A_48 = arith.constant 8 : i32
      %scan3A_49 = arith.addi %scan3A_47, %scan3A_48 : i32
      %scan3A_50 = arith.constant 1 : i32
      scf.for %scan3A_70 = %scan3A_47 to %scan3A_49 step %scan3A_50  : i32 {
        %mul3A_71 = arith.constant 16 : i32
        %mul3A_72 = arith.muli %scan3A_70, %mul3A_71 : i32
        %get3A = arith.index_cast %add3A_45 : i32 to index
        %get3A_73 = arith.index_cast %mul3A_72 : i32 to index
        %get3A_74 = tpu.vector_load %arg6[%get3A, %get3A_73] {strides = array<i32>} : memref<118x128xi32, #tpu.memory_space<vmem>>, vector<1x16xi32>,
        %get3A_75 = vector.shape_cast %get3A_74 : vector<1x16xi32> to vector<16xi32>
        %shift_right_logical3A = arith.constant 16 : i32
        %shift_right_logical3A_76 = vector.broadcast %shift_right_logical3A : i32 to vector<16xi32>
        %shift_right_logical3A_77 = arith.shrui %get3A_75, %shift_right_logical3A_76 : vector<16xi32>
        %mul3A_78 = arith.constant 16 : i32
        %mul3A_79 = arith.muli %scan3A_70, %mul3A_78 : i32
        %swap3A = arith.index_cast %mul3A_79 : i32 to index
        %swap3A_80 = tpu.vector_load %arg9[%swap3A] {strides = array<i32>} : memref<128xi32, #tpu.memory_space<vmem>>, vector<16xi32>,
        %swap3A_81 = vector.shape_cast %swap3A_80 : vector<16xi32> to vector<16xi32>
        %swap3A_82 = vector.shape_cast %shift_right_logical3A_77 : vector<16xi32> to vector<16xi32>
        tpu.vector_store %arg9[%swap3A], %swap3A_82 {strides = array<i32>} : memref<128xi32, #tpu.memory_space<vmem>>, vector<16xi32>,
        %and3A = arith.constant 65535 : i32
        %and3A_83 = vector.broadcast %and3A : i32 to vector<16xi32>
        %and3A_84 = arith.andi %get3A_75, %and3A_83 : vector<16xi32>
        %mul3A_85 = arith.constant 16 : i32
        %mul3A_86 = arith.muli %scan3A_70, %mul3A_85 : i32
        %swap3A_87 = arith.index_cast %mul3A_86 : i32 to index
        %swap3A_88 = tpu.vector_load %arg10[%swap3A_87] {strides = array<i32>} : memref<128xi32, #tpu.memory_space<vmem>>, vector<16xi32>,
        %swap3A_89 = vector.shape_cast %swap3A_88 : vector<16xi32> to vector<16xi32>
        %swap3A_90 = vector.shape_cast %and3A_84 : vector<16xi32> to vector<16xi32>
        tpu.vector_store %arg10[%swap3A_87], %swap3A_90 {strides = array<i32>} : memref<128xi32, #tpu.memory_space<vmem>>, vector<16xi32>,
      }
      %scan3A_51 = arith.constant 8 : i32
      %dma_start3A_52 = arith.constant 0 : i32
      %dma_start3A_53 = arith.constant 0 : i32
      %dma_start3A_54 = tpu.memref_slice %arg2[%dma_start3A_52, %dma_start3A_53] : memref<10240x128xf32, #tpu.memory_space<hbm>> -> memref<10240x128xf32, #tpu.memory_space<hbm>>
      tpu.enqueue_indirect_dma source(%dma_start3A_54 : memref<10240x128xf32, #tpu.memory_space<hbm>>) target(%arg12 : memref<128x128xf32, #tpu.memory_space<vmem>>) offsets(%arg9 : memref<128xi32, #tpu.memory_space<vmem>>) semaphore(%arg15 : memref<!tpu.dma_semaphore, #tpu.memory_space<semaphore_mem>>)
      %dma_wait3A = arith.constant 0 : i32
      %dma_wait3A_55 = arith.constant 0 : i32
      %dma_wait3A_56 = tpu.memref_slice %arg2[%dma_wait3A, %dma_wait3A_55] : memref<10240x128xf32, #tpu.memory_space<hbm>> -> memref<128x128xf32, #tpu.memory_space<hbm>>
      %dma_wait3A_57 = arith.constant 0 : i32
      %dma_wait3A_58 = arith.constant 0 : i32
      %dma_wait3A_59 = tpu.memref_slice %arg2[%dma_wait3A_57, %dma_wait3A_58] : memref<10240x128xf32, #tpu.memory_space<hbm>> -> memref<128x128xf32, #tpu.memory_space<hbm>>
      tpu.wait_dma2 semaphore(%arg14 : memref<!tpu.dma_semaphore, #tpu.memory_space<semaphore_mem>>) src(%dma_wait3A_59 : memref<128x128xf32, #tpu.memory_space<hbm>>) dst(%arg11 : memref<128x128xf32, #tpu.memory_space<vmem>>)
      "tpu.region"() ({
        %run_scoped3A = tpu.sem_alloc : memref<!tpu.dma_semaphore, #tpu.memory_space<semaphore_mem>>
        %dma_start3A_70 = arith.constant 0 : i32
        %dma_start3A_71 = arith.constant 0 : i32
        %dma_start3A_72 = tpu.memref_slice %arg13[%dma_start3A_70, %dma_start3A_71] : memref<10240x128xf32, #tpu.memory_space<vmem_shared>> -> memref<10240x128xf32, #tpu.memory_space<vmem_shared>>
        tpu.enqueue_indirect_dma source(%arg11 : memref<128x128xf32, #tpu.memory_space<vmem>>) target(%dma_start3A_72 : memref<10240x128xf32, #tpu.memory_space<vmem_shared>>) offsets(%arg8 : memref<128xi32, #tpu.memory_space<vmem>>) semaphore(%run_scoped3A : memref<!tpu.dma_semaphore, #tpu.memory_space<semaphore_mem>>) {add = true}
        %dma_wait3A_73 = arith.constant 0 : i32
        %dma_wait3A_74 = arith.constant 0 : i32
        %dma_wait3A_75 = tpu.memref_slice %arg13[%dma_wait3A_73, %dma_wait3A_74] : memref<10240x128xf32, #tpu.memory_space<vmem_shared>> -> memref<10240x128xf32, #tpu.memory_space<vmem_shared>>
        tpu.wait_indirect_dma semaphore(%run_scoped3A : memref<!tpu.dma_semaphore, #tpu.memory_space<semaphore_mem>>) src(%arg11 : memref<128x128xf32, #tpu.memory_space<vmem>>) dst(%dma_wait3A_75 : memref<10240x128xf32, #tpu.memory_space<vmem_shared>>)
        tpu.yield
      }) : () -> ()
      %sub3A = arith.constant 1 : i32
      %sub3A_60 = arith.subi %select_n3A, %sub3A : i32
      %lt3A = arith.cmpi slt, %while3A_42, %sub3A_60 : i32
      %convert_element_type3A_61 = arith.extui %lt3A : i1 to i32
      %cond3A_62 = arith.constant 0 : i32
      %cond3A_63 = arith.cmpi ne, %convert_element_type3A_61, %cond3A_62 : i32
      scf.if %cond3A_63 {
        %add3A_70 = arith.constant 2 : i32
        %add3A_71 = arith.addi %mul3A_44, %add3A_70 : i32
        %scan3A_72 = arith.constant 0 : i32
        %scan3A_73 = arith.constant 0 : i32
        %scan3A_74 = arith.constant 8 : i32
        %scan3A_75 = arith.addi %scan3A_73, %scan3A_74 : i32
        %scan3A_76 = arith.constant 1 : i32
        scf.for %scan3A_81 = %scan3A_73 to %scan3A_75 step %scan3A_76  : i32 {
          %mul3A_82 = arith.constant 16 : i32
          %mul3A_83 = arith.muli %scan3A_81, %mul3A_82 : i32
          %get3A = arith.index_cast %add3A_71 : i32 to index
          %get3A_84 = arith.index_cast %mul3A_83 : i32 to index
          %get3A_85 = tpu.vector_load %arg6[%get3A, %get3A_84] {strides = array<i32>} : memref<118x128xi32, #tpu.memory_space<vmem>>, vector<1x16xi32>,
          %get3A_86 = vector.shape_cast %get3A_85 : vector<1x16xi32> to vector<16xi32>
          %shift_right_logical3A = arith.constant 16 : i32
          %shift_right_logical3A_87 = vector.broadcast %shift_right_logical3A : i32 to vector<16xi32>
          %shift_right_logical3A_88 = arith.shrui %get3A_86, %shift_right_logical3A_87 : vector<16xi32>
          %mul3A_89 = arith.constant 16 : i32
          %mul3A_90 = arith.muli %scan3A_81, %mul3A_89 : i32
          %swap3A = arith.index_cast %mul3A_90 : i32 to index
          %swap3A_91 = tpu.vector_load %arg7[%swap3A] {strides = array<i32>} : memref<128xi32, #tpu.memory_space<vmem>>, vector<16xi32>,
          %swap3A_92 = vector.shape_cast %swap3A_91 : vector<16xi32> to vector<16xi32>
          %swap3A_93 = vector.shape_cast %shift_right_logical3A_88 : vector<16xi32> to vector<16xi32>
          tpu.vector_store %arg7[%swap3A], %swap3A_93 {strides = array<i32>} : memref<128xi32, #tpu.memory_space<vmem>>, vector<16xi32>,
          %and3A = arith.constant 65535 : i32
          %and3A_94 = vector.broadcast %and3A : i32 to vector<16xi32>
          %and3A_95 = arith.andi %get3A_86, %and3A_94 : vector<16xi32>
          %mul3A_96 = arith.constant 16 : i32
          %mul3A_97 = arith.muli %scan3A_81, %mul3A_96 : i32
          %swap3A_98 = arith.index_cast %mul3A_97 : i32 to index
          %swap3A_99 = tpu.vector_load %arg8[%swap3A_98] {strides = array<i32>} : memref<128xi32, #tpu.memory_space<vmem>>, vector<16xi32>,
          %swap3A_100 = vector.shape_cast %swap3A_99 : vector<16xi32> to vector<16xi32>
          %swap3A_101 = vector.shape_cast %and3A_95 : vector<16xi32> to vector<16xi32>
          tpu.vector_store %arg8[%swap3A_98], %swap3A_101 {strides = array<i32>} : memref<128xi32, #tpu.memory_space<vmem>>, vector<16xi32>,
        }
        %scan3A_77 = arith.constant 8 : i32
        %dma_start3A_78 = arith.constant 0 : i32
        %dma_start3A_79 = arith.constant 0 : i32
        %dma_start3A_80 = tpu.memref_slice %arg2[%dma_start3A_78, %dma_start3A_79] : memref<10240x128xf32, #tpu.memory_space<hbm>> -> memref<10240x128xf32, #tpu.memory_space<hbm>>
        tpu.enqueue_indirect_dma source(%dma_start3A_80 : memref<10240x128xf32, #tpu.memory_space<hbm>>) target(%arg11 : memref<128x128xf32, #tpu.memory_space<vmem>>) offsets(%arg7 : memref<128xi32, #tpu.memory_space<vmem>>) semaphore(%arg14 : memref<!tpu.dma_semaphore, #tpu.memory_space<semaphore_mem>>)
      } else {
      }
      %dma_wait3A_64 = arith.constant 0 : i32
      %dma_wait3A_65 = arith.constant 0 : i32
      %dma_wait3A_66 = tpu.memref_slice %arg2[%dma_wait3A_64, %dma_wait3A_65] : memref<10240x128xf32, #tpu.memory_space<hbm>> -> memref<128x128xf32, #tpu.memory_space<hbm>>
      %dma_wait3A_67 = arith.constant 0 : i32
      %dma_wait3A_68 = arith.constant 0 : i32
      %dma_wait3A_69 = tpu.memref_slice %arg2[%dma_wait3A_67, %dma_wait3A_68] : memref<10240x128xf32, #tpu.memory_space<hbm>> -> memref<128x128xf32, #tpu.memory_space<hbm>>
      tpu.wait_dma2 semaphore(%arg15 : memref<!tpu.dma_semaphore, #tpu.memory_space<semaphore_mem>>) src(%dma_wait3A_69 : memref<128x128xf32, #tpu.memory_space<hbm>>) dst(%arg12 : memref<128x128xf32, #tpu.memory_space<vmem>>)
      "tpu.region"() ({
        %run_scoped3A = tpu.sem_alloc : memref<!tpu.dma_semaphore, #tpu.memory_space<semaphore_mem>>
        %dma_start3A_70 = arith.constant 0 : i32
        %dma_start3A_71 = arith.constant 0 : i32
        %dma_start3A_72 = tpu.memref_slice %arg13[%dma_start3A_70, %dma_start3A_71] : memref<10240x128xf32, #tpu.memory_space<vmem_shared>> -> memref<10240x128xf32, #tpu.memory_space<vmem_shared>>
        tpu.enqueue_indirect_dma source(%arg12 : memref<128x128xf32, #tpu.memory_space<vmem>>) target(%dma_start3A_72 : memref<10240x128xf32, #tpu.memory_space<vmem_shared>>) offsets(%arg10 : memref<128xi32, #tpu.memory_space<vmem>>) semaphore(%run_scoped3A : memref<!tpu.dma_semaphore, #tpu.memory_space<semaphore_mem>>) {add = true}
        %dma_wait3A_73 = arith.constant 0 : i32
        %dma_wait3A_74 = arith.constant 0 : i32
        %dma_wait3A_75 = tpu.memref_slice %arg13[%dma_wait3A_73, %dma_wait3A_74] : memref<10240x128xf32, #tpu.memory_space<vmem_shared>> -> memref<10240x128xf32, #tpu.memory_space<vmem_shared>>
        tpu.wait_indirect_dma semaphore(%run_scoped3A : memref<!tpu.dma_semaphore, #tpu.memory_space<semaphore_mem>>) src(%arg12 : memref<128x128xf32, #tpu.memory_space<vmem>>) dst(%dma_wait3A_75 : memref<10240x128xf32, #tpu.memory_space<vmem_shared>>)
        tpu.yield
      }) : () -> ()
    }
    %while3A_37 = arith.constant 1 : i32
    scf.for %while3A_42 = %while3A_35 to %while3A_31 step %while3A_37  : i32 {
      %mul3A_43 = arith.constant 2 : i32
      %mul3A_44 = arith.muli %mul3A_43, %while3A_42 : i32
      %add3A = arith.constant 1 : i32
      %add3A_45 = arith.addi %mul3A_44, %add3A : i32
      %scan3A_46 = arith.constant 0 : i32
      %scan3A_47 = arith.constant 0 : i32
      %scan3A_48 = arith.constant 8 : i32
      %scan3A_49 = arith.addi %scan3A_47, %scan3A_48 : i32
      %scan3A_50 = arith.constant 1 : i32
      scf.for %scan3A_70 = %scan3A_47 to %scan3A_49 step %scan3A_50  : i32 {
        %mul3A_71 = arith.constant 16 : i32
        %mul3A_72 = arith.muli %scan3A_70, %mul3A_71 : i32
        %get3A = arith.index_cast %add3A_45 : i32 to index
        %get3A_73 = arith.index_cast %mul3A_72 : i32 to index
        %get3A_74 = tpu.vector_load %arg6[%get3A, %get3A_73] {strides = array<i32>} : memref<118x128xi32, #tpu.memory_space<vmem>>, vector<1x16xi32>,
        %get3A_75 = vector.shape_cast %get3A_74 : vector<1x16xi32> to vector<16xi32>
        %shift_right_logical3A = arith.constant 16 : i32
        %shift_right_logical3A_76 = vector.broadcast %shift_right_logical3A : i32 to vector<16xi32>
        %shift_right_logical3A_77 = arith.shrui %get3A_75, %shift_right_logical3A_76 : vector<16xi32>
        %mul3A_78 = arith.constant 16 : i32
        %mul3A_79 = arith.muli %scan3A_70, %mul3A_78 : i32
        %swap3A = arith.index_cast %mul3A_79 : i32 to index
        %swap3A_80 = tpu.vector_load %arg9[%swap3A] {strides = array<i32>} : memref<128xi32, #tpu.memory_space<vmem>>, vector<16xi32>,
        %swap3A_81 = vector.shape_cast %swap3A_80 : vector<16xi32> to vector<16xi32>
        %swap3A_82 = vector.shape_cast %shift_right_logical3A_77 : vector<16xi32> to vector<16xi32>
        tpu.vector_store %arg9[%swap3A], %swap3A_82 {strides = array<i32>} : memref<128xi32, #tpu.memory_space<vmem>>, vector<16xi32>,
        %and3A = arith.constant 65535 : i32
        %and3A_83 = vector.broadcast %and3A : i32 to vector<16xi32>
        %and3A_84 = arith.andi %get3A_75, %and3A_83 : vector<16xi32>
        %mul3A_85 = arith.constant 16 : i32
        %mul3A_86 = arith.muli %scan3A_70, %mul3A_85 : i32
        %swap3A_87 = arith.index_cast %mul3A_86 : i32 to index
        %swap3A_88 = tpu.vector_load %arg10[%swap3A_87] {strides = array<i32>} : memref<128xi32, #tpu.memory_space<vmem>>, vector<16xi32>,
        %swap3A_89 = vector.shape_cast %swap3A_88 : vector<16xi32> to vector<16xi32>
        %swap3A_90 = vector.shape_cast %and3A_84 : vector<16xi32> to vector<16xi32>
        tpu.vector_store %arg10[%swap3A_87], %swap3A_90 {strides = array<i32>} : memref<128xi32, #tpu.memory_space<vmem>>, vector<16xi32>,
      }
      %scan3A_51 = arith.constant 8 : i32
      %dma_start3A_52 = arith.constant 0 : i32
      %dma_start3A_53 = arith.constant 0 : i32
      %dma_start3A_54 = tpu.memref_slice %arg2[%dma_start3A_52, %dma_start3A_53] : memref<10240x128xf32, #tpu.memory_space<hbm>> -> memref<10240x128xf32, #tpu.memory_space<hbm>>
      tpu.enqueue_indirect_dma source(%dma_start3A_54 : memref<10240x128xf32, #tpu.memory_space<hbm>>) target(%arg12 : memref<128x128xf32, #tpu.memory_space<vmem>>) offsets(%arg9 : memref<128xi32, #tpu.memory_space<vmem>>) semaphore(%arg15 : memref<!tpu.dma_semaphore, #tpu.memory_space<semaphore_mem>>)
      %dma_wait3A = arith.constant 0 : i32
      %dma_wait3A_55 = arith.constant 0 : i32
      %dma_wait3A_56 = tpu.memref_slice %arg2[%dma_wait3A, %dma_wait3A_55] : memref<10240x128xf32, #tpu.memory_space<hbm>> -> memref<128x128xf32, #tpu.memory_space<hbm>>
      %dma_wait3A_57 = arith.constant 0 : i32
      %dma_wait3A_58 = arith.constant 0 : i32
      %dma_wait3A_59 = tpu.memref_slice %arg2[%dma_wait3A_57, %dma_wait3A_58] : memref<10240x128xf32, #tpu.memory_space<hbm>> -> memref<128x128xf32, #tpu.memory_space<hbm>>
      tpu.wait_dma2 semaphore(%arg14 : memref<!tpu.dma_semaphore, #tpu.memory_space<semaphore_mem>>) src(%dma_wait3A_59 : memref<128x128xf32, #tpu.memory_space<hbm>>) dst(%arg11 : memref<128x128xf32, #tpu.memory_space<vmem>>)
      "tpu.region"() ({
        %run_scoped3A = tpu.sem_alloc : memref<!tpu.dma_semaphore, #tpu.memory_space<semaphore_mem>>
        %dma_start3A_70 = arith.constant 0 : i32
        %dma_start3A_71 = arith.constant 0 : i32
        %dma_start3A_72 = tpu.memref_slice %arg13[%dma_start3A_70, %dma_start3A_71] : memref<10240x128xf32, #tpu.memory_space<vmem_shared>> -> memref<10240x128xf32, #tpu.memory_space<vmem_shared>>
        tpu.enqueue_indirect_dma source(%arg11 : memref<128x128xf32, #tpu.memory_space<vmem>>) target(%dma_start3A_72 : memref<10240x128xf32, #tpu.memory_space<vmem_shared>>) offsets(%arg8 : memref<128xi32, #tpu.memory_space<vmem>>) semaphore(%run_scoped3A : memref<!tpu.dma_semaphore, #tpu.memory_space<semaphore_mem>>) {add = true}
        %dma_wait3A_73 = arith.constant 0 : i32
        %dma_wait3A_74 = arith.constant 0 : i32
        %dma_wait3A_75 = tpu.memref_slice %arg13[%dma_wait3A_73, %dma_wait3A_74] : memref<10240x128xf32, #tpu.memory_space<vmem_shared>> -> memref<10240x128xf32, #tpu.memory_space<vmem_shared>>
        tpu.wait_indirect_dma semaphore(%run_scoped3A : memref<!tpu.dma_semaphore, #tpu.memory_space<semaphore_mem>>) src(%arg11 : memref<128x128xf32, #tpu.memory_space<vmem>>) dst(%dma_wait3A_75 : memref<10240x128xf32, #tpu.memory_space<vmem_shared>>)
        tpu.yield
      }) : () -> ()
      %sub3A = arith.constant 1 : i32
      %sub3A_60 = arith.subi %select_n3A, %sub3A : i32
      %lt3A = arith.cmpi slt, %while3A_42, %sub3A_60 : i32
      %convert_element_type3A_61 = arith.extui %lt3A : i1 to i32
      %cond3A_62 = arith.constant 0 : i32
      %cond3A_63 = arith.cmpi ne, %convert_element_type3A_61, %cond3A_62 : i32
      scf.if %cond3A_63 {
        %add3A_70 = arith.constant 2 : i32
        %add3A_71 = arith.addi %mul3A_44, %add3A_70 : i32
        %scan3A_72 = arith.constant 0 : i32
        %scan3A_73 = arith.constant 0 : i32
        %scan3A_74 = arith.constant 8 : i32
        %scan3A_75 = arith.addi %scan3A_73, %scan3A_74 : i32
        %scan3A_76 = arith.constant 1 : i32
        scf.for %scan3A_81 = %scan3A_73 to %scan3A_75 step %scan3A_76  : i32 {
          %mul3A_82 = arith.constant 16 : i32
          %mul3A_83 = arith.muli %scan3A_81, %mul3A_82 : i32
          %get3A = arith.index_cast %add3A_71 : i32 to index
          %get3A_84 = arith.index_cast %mul3A_83 : i32 to index
          %get3A_85 = tpu.vector_load %arg6[%get3A, %get3A_84] {strides = array<i32>} : memref<118x128xi32, #tpu.memory_space<vmem>>, vector<1x16xi32>,
          %get3A_86 = vector.shape_cast %get3A_85 : vector<1x16xi32> to vector<16xi32>
          %shift_right_logical3A = arith.constant 16 : i32
          %shift_right_logical3A_87 = vector.broadcast %shift_right_logical3A : i32 to vector<16xi32>
          %shift_right_logical3A_88 = arith.shrui %get3A_86, %shift_right_logical3A_87 : vector<16xi32>
          %mul3A_89 = arith.constant 16 : i32
          %mul3A_90 = arith.muli %scan3A_81, %mul3A_89 : i32
          %swap3A = arith.index_cast %mul3A_90 : i32 to index
          %swap3A_91 = tpu.vector_load %arg7[%swap3A] {strides = array<i32>} : memref<128xi32, #tpu.memory_space<vmem>>, vector<16xi32>,
          %swap3A_92 = vector.shape_cast %swap3A_91 : vector<16xi32> to vector<16xi32>
          %swap3A_93 = vector.shape_cast %shift_right_logical3A_88 : vector<16xi32> to vector<16xi32>
          tpu.vector_store %arg7[%swap3A], %swap3A_93 {strides = array<i32>} : memref<128xi32, #tpu.memory_space<vmem>>, vector<16xi32>,
          %and3A = arith.constant 65535 : i32
          %and3A_94 = vector.broadcast %and3A : i32 to vector<16xi32>
          %and3A_95 = arith.andi %get3A_86, %and3A_94 : vector<16xi32>
          %mul3A_96 = arith.constant 16 : i32
          %mul3A_97 = arith.muli %scan3A_81, %mul3A_96 : i32
          %swap3A_98 = arith.index_cast %mul3A_97 : i32 to index
          %swap3A_99 = tpu.vector_load %arg8[%swap3A_98] {strides = array<i32>} : memref<128xi32, #tpu.memory_space<vmem>>, vector<16xi32>,
          %swap3A_100 = vector.shape_cast %swap3A_99 : vector<16xi32> to vector<16xi32>
          %swap3A_101 = vector.shape_cast %and3A_95 : vector<16xi32> to vector<16xi32>
          tpu.vector_store %arg8[%swap3A_98], %swap3A_101 {strides = array<i32>} : memref<128xi32, #tpu.memory_space<vmem>>, vector<16xi32>,
        }
        %scan3A_77 = arith.constant 8 : i32
        %dma_start3A_78 = arith.constant 0 : i32
        %dma_start3A_79 = arith.constant 0 : i32
        %dma_start3A_80 = tpu.memref_slice %arg2[%dma_start3A_78, %dma_start3A_79] : memref<10240x128xf32, #tpu.memory_space<hbm>> -> memref<10240x128xf32, #tpu.memory_space<hbm>>
        tpu.enqueue_indirect_dma source(%dma_start3A_80 : memref<10240x128xf32, #tpu.memory_space<hbm>>) target(%arg11 : memref<128x128xf32, #tpu.memory_space<vmem>>) offsets(%arg7 : memref<128xi32, #tpu.memory_space<vmem>>) semaphore(%arg14 : memref<!tpu.dma_semaphore, #tpu.memory_space<semaphore_mem>>)
      } else {
      }
      %dma_wait3A_64 = arith.constant 0 : i32
      %dma_wait3A_65 = arith.constant 0 : i32
      %dma_wait3A_66 = tpu.memref_slice %arg2[%dma_wait3A_64, %dma_wait3A_65] : memref<10240x128xf32, #tpu.memory_space<hbm>> -> memref<128x128xf32, #tpu.memory_space<hbm>>
      %dma_wait3A_67 = arith.constant 0 : i32
      %dma_wait3A_68 = arith.constant 0 : i32
      %dma_wait3A_69 = tpu.memref_slice %arg2[%dma_wait3A_67, %dma_wait3A_68] : memref<10240x128xf32, #tpu.memory_space<hbm>> -> memref<128x128xf32, #tpu.memory_space<hbm>>
      tpu.wait_dma2 semaphore(%arg15 : memref<!tpu.dma_semaphore, #tpu.memory_space<semaphore_mem>>) src(%dma_wait3A_69 : memref<128x128xf32, #tpu.memory_space<hbm>>) dst(%arg12 : memref<128x128xf32, #tpu.memory_space<vmem>>)
      "tpu.region"() ({
        %run_scoped3A = tpu.sem_alloc : memref<!tpu.dma_semaphore, #tpu.memory_space<semaphore_mem>>
        %dma_start3A_70 = arith.constant 0 : i32
        %dma_start3A_71 = arith.constant 0 : i32
        %dma_start3A_72 = tpu.memref_slice %arg13[%dma_start3A_70, %dma_start3A_71] : memref<10240x128xf32, #tpu.memory_space<vmem_shared>> -> memref<10240x128xf32, #tpu.memory_space<vmem_shared>>
        tpu.enqueue_indirect_dma source(%arg12 : memref<128x128xf32, #tpu.memory_space<vmem>>) target(%dma_start3A_72 : memref<10240x128xf32, #tpu.memory_space<vmem_shared>>) offsets(%arg10 : memref<128xi32, #tpu.memory_space<vmem>>) semaphore(%run_scoped3A : memref<!tpu.dma_semaphore, #tpu.memory_space<semaphore_mem>>) {add = true}
        %dma_wait3A_73 = arith.constant 0 : i32
        %dma_wait3A_74 = arith.constant 0 : i32
        %dma_wait3A_75 = tpu.memref_slice %arg13[%dma_wait3A_73, %dma_wait3A_74] : memref<10240x128xf32, #tpu.memory_space<vmem_shared>> -> memref<10240x128xf32, #tpu.memory_space<vmem_shared>>
        tpu.wait_indirect_dma semaphore(%run_scoped3A : memref<!tpu.dma_semaphore, #tpu.memory_space<semaphore_mem>>) src(%arg12 : memref<128x128xf32, #tpu.memory_space<vmem>>) dst(%dma_wait3A_75 : memref<10240x128xf32, #tpu.memory_space<vmem_shared>>)
        tpu.yield
      }) : () -> ()
    }
    %barrier3A_38 = arith.constant 0 : index
    tpu.barrier barrier_id(%barrier3A_38)
    %mul3A = arith.constant 640 : i32
    %mul3A_39 = arith.muli %arg1, %mul3A : i32
    %mul3A_40 = arith.constant 640 : i32
    %mul3A_41 = arith.muli %arg1, %mul3A_40 : i32
    "tpu.region"() ({
      %run_scoped3A = tpu.sem_alloc : memref<!tpu.dma_semaphore, #tpu.memory_space<semaphore_mem>>
      %dma_start3A_42 = arith.constant 0 : i32
      %dma_start3A_43 = tpu.memref_slice %arg5[%arg0, %mul3A_41, %dma_start3A_42] : memref<2x10240x128xf32, #tpu.memory_space<hbm>> -> memref<1x640x128xf32, #tpu.memory_space<hbm>>
      %dma_start3A_44 = tpu.memref_squeeze %dma_start3A_43 : memref<1x640x128xf32, #tpu.memory_space<hbm>> -> memref<640x128xf32, #tpu.memory_space<hbm>>
      %dma_start3A_45 = arith.constant 0 : i32
      %dma_start3A_46 = tpu.memref_slice %arg13[%mul3A_39, %dma_start3A_45] : memref<10240x128xf32, #tpu.memory_space<vmem_shared>> -> memref<640x128xf32, #tpu.memory_space<vmem_shared>>
      tpu.enqueue_dma source(%dma_start3A_46 : memref<640x128xf32, #tpu.memory_space<vmem_shared>>) target(%dma_start3A_44 : memref<640x128xf32, #tpu.memory_space<hbm>>) target_semaphore(%run_scoped3A : memref<!tpu.dma_semaphore, #tpu.memory_space<semaphore_mem>>)
      %dma_wait3A = arith.constant 0 : i32
      %dma_wait3A_47 = tpu.memref_slice %arg5[%arg0, %mul3A_41, %dma_wait3A] : memref<2x10240x128xf32, #tpu.memory_space<hbm>> -> memref<1x640x128xf32, #tpu.memory_space<hbm>>
      %dma_wait3A_48 = tpu.memref_squeeze %dma_wait3A_47 : memref<1x640x128xf32, #tpu.memory_space<hbm>> -> memref<640x128xf32, #tpu.memory_space<hbm>>
      %dma_wait3A_49 = arith.constant 0 : i32
      %dma_wait3A_50 = tpu.memref_slice %arg13[%mul3A_39, %dma_wait3A_49] : memref<10240x128xf32, #tpu.memory_space<vmem_shared>> -> memref<640x128xf32, #tpu.memory_space<vmem_shared>>
      tpu.wait_dma2 semaphore(%run_scoped3A : memref<!tpu.dma_semaphore, #tpu.memory_space<semaphore_mem>>) src(%dma_wait3A_50 : memref<640x128xf32, #tpu.memory_space<vmem_shared>>) dst(%dma_wait3A_48 : memref<640x128xf32, #tpu.memory_space<hbm>>)
      tpu.yield
    }) : () -> ()
    return
  }
}

#map = affine_map<(d0, d1) -> (0, 0)>
#map1 = affine_map<(d0, d1) -> (0, 0, 0)>
module attributes {stable_mosaic.version = 14 : i64} {
  func.func @_agg_kernel(%arg0: i32, %arg1: i32, %arg2: memref<10240x128xf32, #tpu.memory_space<hbm>>, %arg3: memref<16x118x128xi32, #tpu.memory_space<hbm>>, %arg4: memref<16x40x128xi32, #tpu.memory_space<hbm>>, %arg5: memref<2x10240x128xf32, #tpu.memory_space<hbm>>, %arg6: memref<118x128xi32, #tpu.memory_space<vmem>>, %arg7: memref<128xi32, #tpu.memory_space<vmem>>, %arg8: memref<128xi32, #tpu.memory_space<vmem>>, %arg9: memref<128xi32, #tpu.memory_space<vmem>>, %arg10: memref<128xi32, #tpu.memory_space<vmem>>, %arg11: memref<128x128xf32, #tpu.memory_space<vmem>>, %arg12: memref<128x128xf32, #tpu.memory_space<vmem>>, %arg13: memref<10240x128xf32, #tpu.memory_space<vmem_shared>>, %arg14: memref<!tpu.dma_semaphore, #tpu.memory_space<semaphore_mem>>, %arg15: memref<!tpu.dma_semaphore, #tpu.memory_space<semaphore_mem>>) attributes {dimension_semantics = [#tpu.dimension_semantics<core_parallel>, #tpu.dimension_semantics<subcore_parallel>], iteration_bounds = array<i64: 2, 16>, scalar_prefetch = 0 : i64, scratch_operands = 10 : i64, tpu.core_type = #tpu.core_type<sc_vector_subcore>, window_params = [{transform_indices = #map}, {transform_indices = #map1}, {transform_indices = #map1}, {transform_indices = #map1}]} {
    %eq3A = arith.constant 0 : i32
    %eq3A_0 = arith.cmpi eq, %arg0, %eq3A : i32
    %convert_element_type3A = arith.extui %eq3A_0 : i1 to i32
    %cond3A = arith.constant 0 : i32
    %cond3A_1 = arith.cmpi ne, %convert_element_type3A, %cond3A : i32
    scf.if %cond3A_1 {
      "tpu.region"() ({
        %run_scoped3A = tpu.sem_alloc : memref<!tpu.dma_semaphore, #tpu.memory_space<semaphore_mem>>
        %dma_start3A_42 = arith.constant 0 : i32
        %dma_start3A_43 = arith.constant 0 : i32
        %dma_start3A_44 = tpu.memref_slice %arg3[%arg1, %dma_start3A_42, %dma_start3A_43] : memref<16x118x128xi32, #tpu.memory_space<hbm>> -> memref<1x118x128xi32, #tpu.memory_space<hbm>>
        %dma_start3A_45 = tpu.memref_squeeze %dma_start3A_44 : memref<1x118x128xi32, #tpu.memory_space<hbm>> -> memref<118x128xi32, #tpu.memory_space<hbm>>
        %dma_start3A_46 = arith.constant 0 : i32
        %dma_start3A_47 = arith.constant 0 : i32
        %dma_start3A_48 = tpu.memref_slice %arg3[%arg1, %dma_start3A_46, %dma_start3A_47] : memref<16x118x128xi32, #tpu.memory_space<hbm>> -> memref<1x118x128xi32, #tpu.memory_space<hbm>>
        %dma_start3A_49 = tpu.memref_squeeze %dma_start3A_48 : memref<1x118x128xi32, #tpu.memory_space<hbm>> -> memref<118x128xi32, #tpu.memory_space<hbm>>
        tpu.enqueue_dma source(%dma_start3A_49 : memref<118x128xi32, #tpu.memory_space<hbm>>) target(%arg6 : memref<118x128xi32, #tpu.memory_space<vmem>>) target_semaphore(%run_scoped3A : memref<!tpu.dma_semaphore, #tpu.memory_space<semaphore_mem>>)
        %dma_wait3A = arith.constant 0 : i32
        %dma_wait3A_50 = arith.constant 0 : i32
        %dma_wait3A_51 = tpu.memref_slice %arg3[%arg1, %dma_wait3A, %dma_wait3A_50] : memref<16x118x128xi32, #tpu.memory_space<hbm>> -> memref<1x118x128xi32, #tpu.memory_space<hbm>>
        %dma_wait3A_52 = tpu.memref_squeeze %dma_wait3A_51 : memref<1x118x128xi32, #tpu.memory_space<hbm>> -> memref<118x128xi32, #tpu.memory_space<hbm>>
        %dma_wait3A_53 = arith.constant 0 : i32
        %dma_wait3A_54 = arith.constant 0 : i32
        %dma_wait3A_55 = tpu.memref_slice %arg3[%arg1, %dma_wait3A_53, %dma_wait3A_54] : memref<16x118x128xi32, #tpu.memory_space<hbm>> -> memref<1x118x128xi32, #tpu.memory_space<hbm>>
        %dma_wait3A_56 = tpu.memref_squeeze %dma_wait3A_55 : memref<1x118x128xi32, #tpu.memory_space<hbm>> -> memref<118x128xi32, #tpu.memory_space<hbm>>
        tpu.wait_dma2 semaphore(%run_scoped3A : memref<!tpu.dma_semaphore, #tpu.memory_space<semaphore_mem>>) src(%dma_wait3A_56 : memref<118x128xi32, #tpu.memory_space<hbm>>) dst(%arg6 : memref<118x128xi32, #tpu.memory_space<vmem>>)
        tpu.yield
      }) : () -> ()
    } else {
    }
    %eq3A_2 = arith.constant 1 : i32
    %eq3A_3 = arith.cmpi eq, %arg0, %eq3A_2 : i32
    %convert_element_type3A_4 = arith.extui %eq3A_3 : i1 to i32
    %cond3A_5 = arith.constant 0 : i32
    %cond3A_6 = arith.cmpi ne, %convert_element_type3A_4, %cond3A_5 : i32
    scf.if %cond3A_6 {
      "tpu.region"() ({
        %run_scoped3A = tpu.sem_alloc : memref<!tpu.dma_semaphore, #tpu.memory_space<semaphore_mem>>
        %dma_start3A_42 = arith.constant 0 : i32
        %dma_start3A_43 = arith.constant 0 : i32
        %dma_start3A_44 = tpu.memref_slice %arg6[%dma_start3A_42, %dma_start3A_43] : memref<118x128xi32, #tpu.memory_space<vmem>> -> memref<40x128xi32, #tpu.memory_space<vmem>>
        %dma_start3A_45 = arith.constant 0 : i32
        %dma_start3A_46 = arith.constant 0 : i32
        %dma_start3A_47 = tpu.memref_slice %arg4[%arg1, %dma_start3A_45, %dma_start3A_46] : memref<16x40x128xi32, #tpu.memory_space<hbm>> -> memref<1x40x128xi32, #tpu.memory_space<hbm>>
        %dma_start3A_48 = tpu.memref_squeeze %dma_start3A_47 : memref<1x40x128xi32, #tpu.memory_space<hbm>> -> memref<40x128xi32, #tpu.memory_space<hbm>>
        %dma_start3A_49 = arith.constant 0 : i32
        %dma_start3A_50 = arith.constant 0 : i32
        %dma_start3A_51 = tpu.memref_slice %arg6[%dma_start3A_49, %dma_start3A_50] : memref<118x128xi32, #tpu.memory_space<vmem>> -> memref<40x128xi32, #tpu.memory_space<vmem>>
        %dma_start3A_52 = arith.constant 0 : i32
        %dma_start3A_53 = arith.constant 0 : i32
        %dma_start3A_54 = tpu.memref_slice %arg4[%arg1, %dma_start3A_52, %dma_start3A_53] : memref<16x40x128xi32, #tpu.memory_space<hbm>> -> memref<1x40x128xi32, #tpu.memory_space<hbm>>
        %dma_start3A_55 = tpu.memref_squeeze %dma_start3A_54 : memref<1x40x128xi32, #tpu.memory_space<hbm>> -> memref<40x128xi32, #tpu.memory_space<hbm>>
        tpu.enqueue_dma source(%dma_start3A_55 : memref<40x128xi32, #tpu.memory_space<hbm>>) target(%dma_start3A_51 : memref<40x128xi32, #tpu.memory_space<vmem>>) target_semaphore(%run_scoped3A : memref<!tpu.dma_semaphore, #tpu.memory_space<semaphore_mem>>)
        %dma_wait3A = arith.constant 0 : i32
        %dma_wait3A_56 = arith.constant 0 : i32
        %dma_wait3A_57 = tpu.memref_slice %arg6[%dma_wait3A, %dma_wait3A_56] : memref<118x128xi32, #tpu.memory_space<vmem>> -> memref<40x128xi32, #tpu.memory_space<vmem>>
        %dma_wait3A_58 = arith.constant 0 : i32
        %dma_wait3A_59 = arith.constant 0 : i32
        %dma_wait3A_60 = tpu.memref_slice %arg4[%arg1, %dma_wait3A_58, %dma_wait3A_59] : memref<16x40x128xi32, #tpu.memory_space<hbm>> -> memref<1x40x128xi32, #tpu.memory_space<hbm>>
        %dma_wait3A_61 = tpu.memref_squeeze %dma_wait3A_60 : memref<1x40x128xi32, #tpu.memory_space<hbm>> -> memref<40x128xi32, #tpu.memory_space<hbm>>
        %dma_wait3A_62 = arith.constant 0 : i32
        %dma_wait3A_63 = arith.constant 0 : i32
        %dma_wait3A_64 = tpu.memref_slice %arg6[%dma_wait3A_62, %dma_wait3A_63] : memref<118x128xi32, #tpu.memory_space<vmem>> -> memref<40x128xi32, #tpu.memory_space<vmem>>
        %dma_wait3A_65 = arith.constant 0 : i32
        %dma_wait3A_66 = arith.constant 0 : i32
        %dma_wait3A_67 = tpu.memref_slice %arg4[%arg1, %dma_wait3A_65, %dma_wait3A_66] : memref<16x40x128xi32, #tpu.memory_space<hbm>> -> memref<1x40x128xi32, #tpu.memory_space<hbm>>
        %dma_wait3A_68 = tpu.memref_squeeze %dma_wait3A_67 : memref<1x40x128xi32, #tpu.memory_space<hbm>> -> memref<40x128xi32, #tpu.memory_space<hbm>>
        tpu.wait_dma2 semaphore(%run_scoped3A : memref<!tpu.dma_semaphore, #tpu.memory_space<semaphore_mem>>) src(%dma_wait3A_68 : memref<40x128xi32, #tpu.memory_space<hbm>>) dst(%dma_wait3A_64 : memref<40x128xi32, #tpu.memory_space<vmem>>)
        tpu.yield
      }) : () -> ()
    } else {
    }
    %scan3A = arith.constant 0 : i32
    %scan3A_7 = arith.constant 0 : i32
    %scan3A_8 = arith.constant 128 : i32
    %scan3A_9 = arith.addi %scan3A_7, %scan3A_8 : i32
    %scan3A_10 = arith.constant 1 : i32
    scf.for %scan3A_42 = %scan3A_7 to %scan3A_9 step %scan3A_10  : i32 {
      %scan3A_43 = arith.constant 0 : i32
      %scan3A_44 = arith.constant 8 : i32
      %scan3A_45 = arith.addi %scan3A_43, %scan3A_44 : i32
      %scan3A_46 = arith.constant 1 : i32
      scf.for %scan3A_48 = %scan3A_43 to %scan3A_45 step %scan3A_46  : i32 {
        %broadcast_in_dim3A = arith.constant 0.000000e+00 : f32
        %broadcast_in_dim3A_49 = vector.broadcast %broadcast_in_dim3A : f32 to vector<16xf32>
        %mul3A_50 = arith.constant 16 : i32
        %mul3A_51 = arith.muli %scan3A_48, %mul3A_50 : i32
        %swap3A = arith.index_cast %scan3A_42 : i32 to index
        %swap3A_52 = arith.index_cast %mul3A_51 : i32 to index
        %swap3A_53 = tpu.vector_load %arg11[%swap3A, %swap3A_52] {strides = array<i32>} : memref<128x128xf32, #tpu.memory_space<vmem>>, vector<1x16xf32>,
        %swap3A_54 = vector.shape_cast %swap3A_53 : vector<1x16xf32> to vector<16xf32>
        %swap3A_55 = vector.shape_cast %broadcast_in_dim3A_49 : vector<16xf32> to vector<1x16xf32>
        tpu.vector_store %arg11[%swap3A, %swap3A_52], %swap3A_55 {strides = array<i32>} : memref<128x128xf32, #tpu.memory_space<vmem>>, vector<1x16xf32>,
      }
      %scan3A_47 = arith.constant 8 : i32
    }
    %scan3A_11 = arith.constant 128 : i32
    %scan3A_12 = arith.constant 0 : i32
    %scan3A_13 = arith.constant 0 : i32
    %scan3A_14 = arith.constant 5 : i32
    %scan3A_15 = arith.addi %scan3A_13, %scan3A_14 : i32
    %scan3A_16 = arith.constant 1 : i32
    scf.for %scan3A_42 = %scan3A_13 to %scan3A_15 step %scan3A_16  : i32 {
      %mul3A_43 = arith.constant 640 : i32
      %mul3A_44 = arith.muli %arg1, %mul3A_43 : i32
      %mul3A_45 = arith.constant 128 : i32
      %mul3A_46 = arith.muli %scan3A_42, %mul3A_45 : i32
      %add3A = arith.addi %mul3A_44, %mul3A_46 : i32
      "tpu.region"() ({
        %run_scoped3A = tpu.sem_alloc : memref<!tpu.dma_semaphore, #tpu.memory_space<semaphore_mem>>
        %dma_start3A_47 = arith.constant 0 : i32
        %dma_start3A_48 = tpu.memref_slice %arg13[%add3A, %dma_start3A_47] : memref<10240x128xf32, #tpu.memory_space<vmem_shared>> -> memref<128x128xf32, #tpu.memory_space<vmem_shared>>
        %dma_start3A_49 = arith.constant 0 : i32
        %dma_start3A_50 = tpu.memref_slice %arg13[%add3A, %dma_start3A_49] : memref<10240x128xf32, #tpu.memory_space<vmem_shared>> -> memref<128x128xf32, #tpu.memory_space<vmem_shared>>
        tpu.enqueue_dma source(%arg11 : memref<128x128xf32, #tpu.memory_space<vmem>>) target(%dma_start3A_50 : memref<128x128xf32, #tpu.memory_space<vmem_shared>>) target_semaphore(%run_scoped3A : memref<!tpu.dma_semaphore, #tpu.memory_space<semaphore_mem>>)
        %dma_wait3A = arith.constant 0 : i32
        %dma_wait3A_51 = tpu.memref_slice %arg13[%add3A, %dma_wait3A] : memref<10240x128xf32, #tpu.memory_space<vmem_shared>> -> memref<128x128xf32, #tpu.memory_space<vmem_shared>>
        %dma_wait3A_52 = arith.constant 0 : i32
        %dma_wait3A_53 = tpu.memref_slice %arg13[%add3A, %dma_wait3A_52] : memref<10240x128xf32, #tpu.memory_space<vmem_shared>> -> memref<128x128xf32, #tpu.memory_space<vmem_shared>>
        tpu.wait_dma2 semaphore(%run_scoped3A : memref<!tpu.dma_semaphore, #tpu.memory_space<semaphore_mem>>) src(%arg11 : memref<128x128xf32, #tpu.memory_space<vmem>>) dst(%dma_wait3A_53 : memref<128x128xf32, #tpu.memory_space<vmem_shared>>)
        tpu.yield
      }) : () -> ()
    }
    %scan3A_17 = arith.constant 5 : i32
    %barrier3A = arith.constant 0 : index
    tpu.barrier barrier_id(%barrier3A)
    %scan3A_18 = arith.constant 0 : i32
    %scan3A_19 = arith.constant 0 : i32
    %scan3A_20 = arith.constant 8 : i32
    %scan3A_21 = arith.addi %scan3A_19, %scan3A_20 : i32
    %scan3A_22 = arith.constant 1 : i32
    scf.for %scan3A_42 = %scan3A_19 to %scan3A_21 step %scan3A_22  : i32 {
      %mul3A_43 = arith.constant 16 : i32
      %mul3A_44 = arith.muli %scan3A_42, %mul3A_43 : i32
      %get3A = arith.constant 0 : i32
      %get3A_45 = arith.index_cast %get3A : i32 to index
      %get3A_46 = arith.index_cast %mul3A_44 : i32 to index
      %get3A_47 = tpu.vector_load %arg6[%get3A_45, %get3A_46] {strides = array<i32>} : memref<118x128xi32, #tpu.memory_space<vmem>>, vector<1x16xi32>,
      %get3A_48 = vector.shape_cast %get3A_47 : vector<1x16xi32> to vector<16xi32>
      %shift_right_logical3A = arith.constant 16 : i32
      %shift_right_logical3A_49 = vector.broadcast %shift_right_logical3A : i32 to vector<16xi32>
      %shift_right_logical3A_50 = arith.shrui %get3A_48, %shift_right_logical3A_49 : vector<16xi32>
      %mul3A_51 = arith.constant 16 : i32
      %mul3A_52 = arith.muli %scan3A_42, %mul3A_51 : i32
      %swap3A = arith.index_cast %mul3A_52 : i32 to index
      %swap3A_53 = tpu.vector_load %arg7[%swap3A] {strides = array<i32>} : memref<128xi32, #tpu.memory_space<vmem>>, vector<16xi32>,
      %swap3A_54 = vector.shape_cast %swap3A_53 : vector<16xi32> to vector<16xi32>
      %swap3A_55 = vector.shape_cast %shift_right_logical3A_50 : vector<16xi32> to vector<16xi32>
      tpu.vector_store %arg7[%swap3A], %swap3A_55 {strides = array<i32>} : memref<128xi32, #tpu.memory_space<vmem>>, vector<16xi32>,
      %and3A = arith.constant 65535 : i32
      %and3A_56 = vector.broadcast %and3A : i32 to vector<16xi32>
      %and3A_57 = arith.andi %get3A_48, %and3A_56 : vector<16xi32>
      %mul3A_58 = arith.constant 16 : i32
      %mul3A_59 = arith.muli %scan3A_42, %mul3A_58 : i32
      %swap3A_60 = arith.index_cast %mul3A_59 : i32 to index
      %swap3A_61 = tpu.vector_load %arg8[%swap3A_60] {strides = array<i32>} : memref<128xi32, #tpu.memory_space<vmem>>, vector<16xi32>,
      %swap3A_62 = vector.shape_cast %swap3A_61 : vector<16xi32> to vector<16xi32>
      %swap3A_63 = vector.shape_cast %and3A_57 : vector<16xi32> to vector<16xi32>
      tpu.vector_store %arg8[%swap3A_60], %swap3A_63 {strides = array<i32>} : memref<128xi32, #tpu.memory_space<vmem>>, vector<16xi32>,
    }
    %scan3A_23 = arith.constant 8 : i32
    %dma_start3A = arith.constant 0 : i32
    %dma_start3A_24 = arith.constant 0 : i32
    %dma_start3A_25 = tpu.memref_slice %arg2[%dma_start3A, %dma_start3A_24] : memref<10240x128xf32, #tpu.memory_space<hbm>> -> memref<10240x128xf32, #tpu.memory_space<hbm>>
    tpu.enqueue_indirect_dma source(%dma_start3A_25 : memref<10240x128xf32, #tpu.memory_space<hbm>>) target(%arg11 : memref<128x128xf32, #tpu.memory_space<vmem>>) offsets(%arg7 : memref<128xi32, #tpu.memory_space<vmem>>) semaphore(%arg14 : memref<!tpu.dma_semaphore, #tpu.memory_space<semaphore_mem>>)
    %eq3A_26 = arith.constant 0 : i32
    %eq3A_27 = arith.cmpi eq, %arg0, %eq3A_26 : i32
    %jit3A = arith.constant 59 : i32
    %jit3A_28 = arith.constant 20 : i32
    %select_n3A = arith.select %eq3A_27, %jit3A, %jit3A_28 : i32
    %while3A = arith.constant 0 : i32
    %while3A_29 = arith.constant 0 : i32
    %while3A_30 = arith.subi %select_n3A, %while3A_29 : i32
    %while3A_31 = arith.addi %while3A_29, %while3A_30 : i32
    %while3A_32 = arith.constant 1 : i32
    %while3A_33 = arith.divsi %while3A_30, %while3A_32 : i32
    %while3A_34 = arith.muli %while3A_33, %while3A_32 : i32
    %while3A_35 = arith.addi %while3A_29, %while3A_34 : i32
    %while3A_36 = arith.constant 1 : i32
    scf.for %while3A_42 = %while3A_29 to %while3A_35 step %while3A_36  : i32 {
      %mul3A_43 = arith.constant 2 : i32
      %mul3A_44 = arith.muli %mul3A_43, %while3A_42 : i32
      %add3A = arith.constant 1 : i32
      %add3A_45 = arith.addi %mul3A_44, %add3A : i32
      %scan3A_46 = arith.constant 0 : i32
      %scan3A_47 = arith.constant 0 : i32
      %scan3A_48 = arith.constant 8 : i32
      %scan3A_49 = arith.addi %scan3A_47, %scan3A_48 : i32
      %scan3A_50 = arith.constant 1 : i32
      scf.for %scan3A_70 = %scan3A_47 to %scan3A_49 step %scan3A_50  : i32 {
        %mul3A_71 = arith.constant 16 : i32
        %mul3A_72 = arith.muli %scan3A_70, %mul3A_71 : i32
        %get3A = arith.index_cast %add3A_45 : i32 to index
        %get3A_73 = arith.index_cast %mul3A_72 : i32 to index
        %get3A_74 = tpu.vector_load %arg6[%get3A, %get3A_73] {strides = array<i32>} : memref<118x128xi32, #tpu.memory_space<vmem>>, vector<1x16xi32>,
        %get3A_75 = vector.shape_cast %get3A_74 : vector<1x16xi32> to vector<16xi32>
        %shift_right_logical3A = arith.constant 16 : i32
        %shift_right_logical3A_76 = vector.broadcast %shift_right_logical3A : i32 to vector<16xi32>
        %shift_right_logical3A_77 = arith.shrui %get3A_75, %shift_right_logical3A_76 : vector<16xi32>
        %mul3A_78 = arith.constant 16 : i32
        %mul3A_79 = arith.muli %scan3A_70, %mul3A_78 : i32
        %swap3A = arith.index_cast %mul3A_79 : i32 to index
        %swap3A_80 = tpu.vector_load %arg9[%swap3A] {strides = array<i32>} : memref<128xi32, #tpu.memory_space<vmem>>, vector<16xi32>,
        %swap3A_81 = vector.shape_cast %swap3A_80 : vector<16xi32> to vector<16xi32>
        %swap3A_82 = vector.shape_cast %shift_right_logical3A_77 : vector<16xi32> to vector<16xi32>
        tpu.vector_store %arg9[%swap3A], %swap3A_82 {strides = array<i32>} : memref<128xi32, #tpu.memory_space<vmem>>, vector<16xi32>,
        %and3A = arith.constant 65535 : i32
        %and3A_83 = vector.broadcast %and3A : i32 to vector<16xi32>
        %and3A_84 = arith.andi %get3A_75, %and3A_83 : vector<16xi32>
        %mul3A_85 = arith.constant 16 : i32
        %mul3A_86 = arith.muli %scan3A_70, %mul3A_85 : i32
        %swap3A_87 = arith.index_cast %mul3A_86 : i32 to index
        %swap3A_88 = tpu.vector_load %arg10[%swap3A_87] {strides = array<i32>} : memref<128xi32, #tpu.memory_space<vmem>>, vector<16xi32>,
        %swap3A_89 = vector.shape_cast %swap3A_88 : vector<16xi32> to vector<16xi32>
        %swap3A_90 = vector.shape_cast %and3A_84 : vector<16xi32> to vector<16xi32>
        tpu.vector_store %arg10[%swap3A_87], %swap3A_90 {strides = array<i32>} : memref<128xi32, #tpu.memory_space<vmem>>, vector<16xi32>,
      }
      %scan3A_51 = arith.constant 8 : i32
      %dma_start3A_52 = arith.constant 0 : i32
      %dma_start3A_53 = arith.constant 0 : i32
      %dma_start3A_54 = tpu.memref_slice %arg2[%dma_start3A_52, %dma_start3A_53] : memref<10240x128xf32, #tpu.memory_space<hbm>> -> memref<10240x128xf32, #tpu.memory_space<hbm>>
      tpu.enqueue_indirect_dma source(%dma_start3A_54 : memref<10240x128xf32, #tpu.memory_space<hbm>>) target(%arg12 : memref<128x128xf32, #tpu.memory_space<vmem>>) offsets(%arg9 : memref<128xi32, #tpu.memory_space<vmem>>) semaphore(%arg15 : memref<!tpu.dma_semaphore, #tpu.memory_space<semaphore_mem>>)
      %dma_wait3A = arith.constant 0 : i32
      %dma_wait3A_55 = arith.constant 0 : i32
      %dma_wait3A_56 = tpu.memref_slice %arg2[%dma_wait3A, %dma_wait3A_55] : memref<10240x128xf32, #tpu.memory_space<hbm>> -> memref<128x128xf32, #tpu.memory_space<hbm>>
      %dma_wait3A_57 = arith.constant 0 : i32
      %dma_wait3A_58 = arith.constant 0 : i32
      %dma_wait3A_59 = tpu.memref_slice %arg2[%dma_wait3A_57, %dma_wait3A_58] : memref<10240x128xf32, #tpu.memory_space<hbm>> -> memref<128x128xf32, #tpu.memory_space<hbm>>
      tpu.wait_dma2 semaphore(%arg14 : memref<!tpu.dma_semaphore, #tpu.memory_space<semaphore_mem>>) src(%dma_wait3A_59 : memref<128x128xf32, #tpu.memory_space<hbm>>) dst(%arg11 : memref<128x128xf32, #tpu.memory_space<vmem>>)
      "tpu.region"() ({
        %run_scoped3A = tpu.sem_alloc : memref<!tpu.dma_semaphore, #tpu.memory_space<semaphore_mem>>
        %dma_start3A_70 = arith.constant 0 : i32
        %dma_start3A_71 = arith.constant 0 : i32
        %dma_start3A_72 = tpu.memref_slice %arg13[%dma_start3A_70, %dma_start3A_71] : memref<10240x128xf32, #tpu.memory_space<vmem_shared>> -> memref<10240x128xf32, #tpu.memory_space<vmem_shared>>
        tpu.enqueue_indirect_dma source(%arg11 : memref<128x128xf32, #tpu.memory_space<vmem>>) target(%dma_start3A_72 : memref<10240x128xf32, #tpu.memory_space<vmem_shared>>) offsets(%arg8 : memref<128xi32, #tpu.memory_space<vmem>>) semaphore(%run_scoped3A : memref<!tpu.dma_semaphore, #tpu.memory_space<semaphore_mem>>) {add = true}
        %dma_wait3A_73 = arith.constant 0 : i32
        %dma_wait3A_74 = arith.constant 0 : i32
        %dma_wait3A_75 = tpu.memref_slice %arg13[%dma_wait3A_73, %dma_wait3A_74] : memref<10240x128xf32, #tpu.memory_space<vmem_shared>> -> memref<10240x128xf32, #tpu.memory_space<vmem_shared>>
        tpu.wait_indirect_dma semaphore(%run_scoped3A : memref<!tpu.dma_semaphore, #tpu.memory_space<semaphore_mem>>) src(%arg11 : memref<128x128xf32, #tpu.memory_space<vmem>>) dst(%dma_wait3A_75 : memref<10240x128xf32, #tpu.memory_space<vmem_shared>>)
        tpu.yield
      }) : () -> ()
      %sub3A = arith.constant 1 : i32
      %sub3A_60 = arith.subi %select_n3A, %sub3A : i32
      %lt3A = arith.cmpi slt, %while3A_42, %sub3A_60 : i32
      %convert_element_type3A_61 = arith.extui %lt3A : i1 to i32
      %cond3A_62 = arith.constant 0 : i32
      %cond3A_63 = arith.cmpi ne, %convert_element_type3A_61, %cond3A_62 : i32
      scf.if %cond3A_63 {
        %add3A_70 = arith.constant 2 : i32
        %add3A_71 = arith.addi %mul3A_44, %add3A_70 : i32
        %scan3A_72 = arith.constant 0 : i32
        %scan3A_73 = arith.constant 0 : i32
        %scan3A_74 = arith.constant 8 : i32
        %scan3A_75 = arith.addi %scan3A_73, %scan3A_74 : i32
        %scan3A_76 = arith.constant 1 : i32
        scf.for %scan3A_81 = %scan3A_73 to %scan3A_75 step %scan3A_76  : i32 {
          %mul3A_82 = arith.constant 16 : i32
          %mul3A_83 = arith.muli %scan3A_81, %mul3A_82 : i32
          %get3A = arith.index_cast %add3A_71 : i32 to index
          %get3A_84 = arith.index_cast %mul3A_83 : i32 to index
          %get3A_85 = tpu.vector_load %arg6[%get3A, %get3A_84] {strides = array<i32>} : memref<118x128xi32, #tpu.memory_space<vmem>>, vector<1x16xi32>,
          %get3A_86 = vector.shape_cast %get3A_85 : vector<1x16xi32> to vector<16xi32>
          %shift_right_logical3A = arith.constant 16 : i32
          %shift_right_logical3A_87 = vector.broadcast %shift_right_logical3A : i32 to vector<16xi32>
          %shift_right_logical3A_88 = arith.shrui %get3A_86, %shift_right_logical3A_87 : vector<16xi32>
          %mul3A_89 = arith.constant 16 : i32
          %mul3A_90 = arith.muli %scan3A_81, %mul3A_89 : i32
          %swap3A = arith.index_cast %mul3A_90 : i32 to index
          %swap3A_91 = tpu.vector_load %arg7[%swap3A] {strides = array<i32>} : memref<128xi32, #tpu.memory_space<vmem>>, vector<16xi32>,
          %swap3A_92 = vector.shape_cast %swap3A_91 : vector<16xi32> to vector<16xi32>
          %swap3A_93 = vector.shape_cast %shift_right_logical3A_88 : vector<16xi32> to vector<16xi32>
          tpu.vector_store %arg7[%swap3A], %swap3A_93 {strides = array<i32>} : memref<128xi32, #tpu.memory_space<vmem>>, vector<16xi32>,
          %and3A = arith.constant 65535 : i32
          %and3A_94 = vector.broadcast %and3A : i32 to vector<16xi32>
          %and3A_95 = arith.andi %get3A_86, %and3A_94 : vector<16xi32>
          %mul3A_96 = arith.constant 16 : i32
          %mul3A_97 = arith.muli %scan3A_81, %mul3A_96 : i32
          %swap3A_98 = arith.index_cast %mul3A_97 : i32 to index
          %swap3A_99 = tpu.vector_load %arg8[%swap3A_98] {strides = array<i32>} : memref<128xi32, #tpu.memory_space<vmem>>, vector<16xi32>,
          %swap3A_100 = vector.shape_cast %swap3A_99 : vector<16xi32> to vector<16xi32>
          %swap3A_101 = vector.shape_cast %and3A_95 : vector<16xi32> to vector<16xi32>
          tpu.vector_store %arg8[%swap3A_98], %swap3A_101 {strides = array<i32>} : memref<128xi32, #tpu.memory_space<vmem>>, vector<16xi32>,
        }
        %scan3A_77 = arith.constant 8 : i32
        %dma_start3A_78 = arith.constant 0 : i32
        %dma_start3A_79 = arith.constant 0 : i32
        %dma_start3A_80 = tpu.memref_slice %arg2[%dma_start3A_78, %dma_start3A_79] : memref<10240x128xf32, #tpu.memory_space<hbm>> -> memref<10240x128xf32, #tpu.memory_space<hbm>>
        tpu.enqueue_indirect_dma source(%dma_start3A_80 : memref<10240x128xf32, #tpu.memory_space<hbm>>) target(%arg11 : memref<128x128xf32, #tpu.memory_space<vmem>>) offsets(%arg7 : memref<128xi32, #tpu.memory_space<vmem>>) semaphore(%arg14 : memref<!tpu.dma_semaphore, #tpu.memory_space<semaphore_mem>>)
      } else {
      }
      %dma_wait3A_64 = arith.constant 0 : i32
      %dma_wait3A_65 = arith.constant 0 : i32
      %dma_wait3A_66 = tpu.memref_slice %arg2[%dma_wait3A_64, %dma_wait3A_65] : memref<10240x128xf32, #tpu.memory_space<hbm>> -> memref<128x128xf32, #tpu.memory_space<hbm>>
      %dma_wait3A_67 = arith.constant 0 : i32
      %dma_wait3A_68 = arith.constant 0 : i32
      %dma_wait3A_69 = tpu.memref_slice %arg2[%dma_wait3A_67, %dma_wait3A_68] : memref<10240x128xf32, #tpu.memory_space<hbm>> -> memref<128x128xf32, #tpu.memory_space<hbm>>
      tpu.wait_dma2 semaphore(%arg15 : memref<!tpu.dma_semaphore, #tpu.memory_space<semaphore_mem>>) src(%dma_wait3A_69 : memref<128x128xf32, #tpu.memory_space<hbm>>) dst(%arg12 : memref<128x128xf32, #tpu.memory_space<vmem>>)
      "tpu.region"() ({
        %run_scoped3A = tpu.sem_alloc : memref<!tpu.dma_semaphore, #tpu.memory_space<semaphore_mem>>
        %dma_start3A_70 = arith.constant 0 : i32
        %dma_start3A_71 = arith.constant 0 : i32
        %dma_start3A_72 = tpu.memref_slice %arg13[%dma_start3A_70, %dma_start3A_71] : memref<10240x128xf32, #tpu.memory_space<vmem_shared>> -> memref<10240x128xf32, #tpu.memory_space<vmem_shared>>
        tpu.enqueue_indirect_dma source(%arg12 : memref<128x128xf32, #tpu.memory_space<vmem>>) target(%dma_start3A_72 : memref<10240x128xf32, #tpu.memory_space<vmem_shared>>) offsets(%arg10 : memref<128xi32, #tpu.memory_space<vmem>>) semaphore(%run_scoped3A : memref<!tpu.dma_semaphore, #tpu.memory_space<semaphore_mem>>) {add = true}
        %dma_wait3A_73 = arith.constant 0 : i32
        %dma_wait3A_74 = arith.constant 0 : i32
        %dma_wait3A_75 = tpu.memref_slice %arg13[%dma_wait3A_73, %dma_wait3A_74] : memref<10240x128xf32, #tpu.memory_space<vmem_shared>> -> memref<10240x128xf32, #tpu.memory_space<vmem_shared>>
        tpu.wait_indirect_dma semaphore(%run_scoped3A : memref<!tpu.dma_semaphore, #tpu.memory_space<semaphore_mem>>) src(%arg12 : memref<128x128xf32, #tpu.memory_space<vmem>>) dst(%dma_wait3A_75 : memref<10240x128xf32, #tpu.memory_space<vmem_shared>>)
        tpu.yield
      }) : () -> ()
    }
    %while3A_37 = arith.constant 1 : i32
    scf.for %while3A_42 = %while3A_35 to %while3A_31 step %while3A_37  : i32 {
      %mul3A_43 = arith.constant 2 : i32
      %mul3A_44 = arith.muli %mul3A_43, %while3A_42 : i32
      %add3A = arith.constant 1 : i32
      %add3A_45 = arith.addi %mul3A_44, %add3A : i32
      %scan3A_46 = arith.constant 0 : i32
      %scan3A_47 = arith.constant 0 : i32
      %scan3A_48 = arith.constant 8 : i32
      %scan3A_49 = arith.addi %scan3A_47, %scan3A_48 : i32
      %scan3A_50 = arith.constant 1 : i32
      scf.for %scan3A_70 = %scan3A_47 to %scan3A_49 step %scan3A_50  : i32 {
        %mul3A_71 = arith.constant 16 : i32
        %mul3A_72 = arith.muli %scan3A_70, %mul3A_71 : i32
        %get3A = arith.index_cast %add3A_45 : i32 to index
        %get3A_73 = arith.index_cast %mul3A_72 : i32 to index
        %get3A_74 = tpu.vector_load %arg6[%get3A, %get3A_73] {strides = array<i32>} : memref<118x128xi32, #tpu.memory_space<vmem>>, vector<1x16xi32>,
        %get3A_75 = vector.shape_cast %get3A_74 : vector<1x16xi32> to vector<16xi32>
        %shift_right_logical3A = arith.constant 16 : i32
        %shift_right_logical3A_76 = vector.broadcast %shift_right_logical3A : i32 to vector<16xi32>
        %shift_right_logical3A_77 = arith.shrui %get3A_75, %shift_right_logical3A_76 : vector<16xi32>
        %mul3A_78 = arith.constant 16 : i32
        %mul3A_79 = arith.muli %scan3A_70, %mul3A_78 : i32
        %swap3A = arith.index_cast %mul3A_79 : i32 to index
        %swap3A_80 = tpu.vector_load %arg9[%swap3A] {strides = array<i32>} : memref<128xi32, #tpu.memory_space<vmem>>, vector<16xi32>,
        %swap3A_81 = vector.shape_cast %swap3A_80 : vector<16xi32> to vector<16xi32>
        %swap3A_82 = vector.shape_cast %shift_right_logical3A_77 : vector<16xi32> to vector<16xi32>
        tpu.vector_store %arg9[%swap3A], %swap3A_82 {strides = array<i32>} : memref<128xi32, #tpu.memory_space<vmem>>, vector<16xi32>,
        %and3A = arith.constant 65535 : i32
        %and3A_83 = vector.broadcast %and3A : i32 to vector<16xi32>
        %and3A_84 = arith.andi %get3A_75, %and3A_83 : vector<16xi32>
        %mul3A_85 = arith.constant 16 : i32
        %mul3A_86 = arith.muli %scan3A_70, %mul3A_85 : i32
        %swap3A_87 = arith.index_cast %mul3A_86 : i32 to index
        %swap3A_88 = tpu.vector_load %arg10[%swap3A_87] {strides = array<i32>} : memref<128xi32, #tpu.memory_space<vmem>>, vector<16xi32>,
        %swap3A_89 = vector.shape_cast %swap3A_88 : vector<16xi32> to vector<16xi32>
        %swap3A_90 = vector.shape_cast %and3A_84 : vector<16xi32> to vector<16xi32>
        tpu.vector_store %arg10[%swap3A_87], %swap3A_90 {strides = array<i32>} : memref<128xi32, #tpu.memory_space<vmem>>, vector<16xi32>,
      }
      %scan3A_51 = arith.constant 8 : i32
      %dma_start3A_52 = arith.constant 0 : i32
      %dma_start3A_53 = arith.constant 0 : i32
      %dma_start3A_54 = tpu.memref_slice %arg2[%dma_start3A_52, %dma_start3A_53] : memref<10240x128xf32, #tpu.memory_space<hbm>> -> memref<10240x128xf32, #tpu.memory_space<hbm>>
      tpu.enqueue_indirect_dma source(%dma_start3A_54 : memref<10240x128xf32, #tpu.memory_space<hbm>>) target(%arg12 : memref<128x128xf32, #tpu.memory_space<vmem>>) offsets(%arg9 : memref<128xi32, #tpu.memory_space<vmem>>) semaphore(%arg15 : memref<!tpu.dma_semaphore, #tpu.memory_space<semaphore_mem>>)
      %dma_wait3A = arith.constant 0 : i32
      %dma_wait3A_55 = arith.constant 0 : i32
      %dma_wait3A_56 = tpu.memref_slice %arg2[%dma_wait3A, %dma_wait3A_55] : memref<10240x128xf32, #tpu.memory_space<hbm>> -> memref<128x128xf32, #tpu.memory_space<hbm>>
      %dma_wait3A_57 = arith.constant 0 : i32
      %dma_wait3A_58 = arith.constant 0 : i32
      %dma_wait3A_59 = tpu.memref_slice %arg2[%dma_wait3A_57, %dma_wait3A_58] : memref<10240x128xf32, #tpu.memory_space<hbm>> -> memref<128x128xf32, #tpu.memory_space<hbm>>
      tpu.wait_dma2 semaphore(%arg14 : memref<!tpu.dma_semaphore, #tpu.memory_space<semaphore_mem>>) src(%dma_wait3A_59 : memref<128x128xf32, #tpu.memory_space<hbm>>) dst(%arg11 : memref<128x128xf32, #tpu.memory_space<vmem>>)
      "tpu.region"() ({
        %run_scoped3A = tpu.sem_alloc : memref<!tpu.dma_semaphore, #tpu.memory_space<semaphore_mem>>
        %dma_start3A_70 = arith.constant 0 : i32
        %dma_start3A_71 = arith.constant 0 : i32
        %dma_start3A_72 = tpu.memref_slice %arg13[%dma_start3A_70, %dma_start3A_71] : memref<10240x128xf32, #tpu.memory_space<vmem_shared>> -> memref<10240x128xf32, #tpu.memory_space<vmem_shared>>
        tpu.enqueue_indirect_dma source(%arg11 : memref<128x128xf32, #tpu.memory_space<vmem>>) target(%dma_start3A_72 : memref<10240x128xf32, #tpu.memory_space<vmem_shared>>) offsets(%arg8 : memref<128xi32, #tpu.memory_space<vmem>>) semaphore(%run_scoped3A : memref<!tpu.dma_semaphore, #tpu.memory_space<semaphore_mem>>) {add = true}
        %dma_wait3A_73 = arith.constant 0 : i32
        %dma_wait3A_74 = arith.constant 0 : i32
        %dma_wait3A_75 = tpu.memref_slice %arg13[%dma_wait3A_73, %dma_wait3A_74] : memref<10240x128xf32, #tpu.memory_space<vmem_shared>> -> memref<10240x128xf32, #tpu.memory_space<vmem_shared>>
        tpu.wait_indirect_dma semaphore(%run_scoped3A : memref<!tpu.dma_semaphore, #tpu.memory_space<semaphore_mem>>) src(%arg11 : memref<128x128xf32, #tpu.memory_space<vmem>>) dst(%dma_wait3A_75 : memref<10240x128xf32, #tpu.memory_space<vmem_shared>>)
        tpu.yield
      }) : () -> ()
      %sub3A = arith.constant 1 : i32
      %sub3A_60 = arith.subi %select_n3A, %sub3A : i32
      %lt3A = arith.cmpi slt, %while3A_42, %sub3A_60 : i32
      %convert_element_type3A_61 = arith.extui %lt3A : i1 to i32
      %cond3A_62 = arith.constant 0 : i32
      %cond3A_63 = arith.cmpi ne, %convert_element_type3A_61, %cond3A_62 : i32
      scf.if %cond3A_63 {
        %add3A_70 = arith.constant 2 : i32
        %add3A_71 = arith.addi %mul3A_44, %add3A_70 : i32
        %scan3A_72 = arith.constant 0 : i32
        %scan3A_73 = arith.constant 0 : i32
        %scan3A_74 = arith.constant 8 : i32
        %scan3A_75 = arith.addi %scan3A_73, %scan3A_74 : i32
        %scan3A_76 = arith.constant 1 : i32
        scf.for %scan3A_81 = %scan3A_73 to %scan3A_75 step %scan3A_76  : i32 {
          %mul3A_82 = arith.constant 16 : i32
          %mul3A_83 = arith.muli %scan3A_81, %mul3A_82 : i32
          %get3A = arith.index_cast %add3A_71 : i32 to index
          %get3A_84 = arith.index_cast %mul3A_83 : i32 to index
          %get3A_85 = tpu.vector_load %arg6[%get3A, %get3A_84] {strides = array<i32>} : memref<118x128xi32, #tpu.memory_space<vmem>>, vector<1x16xi32>,
          %get3A_86 = vector.shape_cast %get3A_85 : vector<1x16xi32> to vector<16xi32>
          %shift_right_logical3A = arith.constant 16 : i32
          %shift_right_logical3A_87 = vector.broadcast %shift_right_logical3A : i32 to vector<16xi32>
          %shift_right_logical3A_88 = arith.shrui %get3A_86, %shift_right_logical3A_87 : vector<16xi32>
          %mul3A_89 = arith.constant 16 : i32
          %mul3A_90 = arith.muli %scan3A_81, %mul3A_89 : i32
          %swap3A = arith.index_cast %mul3A_90 : i32 to index
          %swap3A_91 = tpu.vector_load %arg7[%swap3A] {strides = array<i32>} : memref<128xi32, #tpu.memory_space<vmem>>, vector<16xi32>,
          %swap3A_92 = vector.shape_cast %swap3A_91 : vector<16xi32> to vector<16xi32>
          %swap3A_93 = vector.shape_cast %shift_right_logical3A_88 : vector<16xi32> to vector<16xi32>
          tpu.vector_store %arg7[%swap3A], %swap3A_93 {strides = array<i32>} : memref<128xi32, #tpu.memory_space<vmem>>, vector<16xi32>,
          %and3A = arith.constant 65535 : i32
          %and3A_94 = vector.broadcast %and3A : i32 to vector<16xi32>
          %and3A_95 = arith.andi %get3A_86, %and3A_94 : vector<16xi32>
          %mul3A_96 = arith.constant 16 : i32
          %mul3A_97 = arith.muli %scan3A_81, %mul3A_96 : i32
          %swap3A_98 = arith.index_cast %mul3A_97 : i32 to index
          %swap3A_99 = tpu.vector_load %arg8[%swap3A_98] {strides = array<i32>} : memref<128xi32, #tpu.memory_space<vmem>>, vector<16xi32>,
          %swap3A_100 = vector.shape_cast %swap3A_99 : vector<16xi32> to vector<16xi32>
          %swap3A_101 = vector.shape_cast %and3A_95 : vector<16xi32> to vector<16xi32>
          tpu.vector_store %arg8[%swap3A_98], %swap3A_101 {strides = array<i32>} : memref<128xi32, #tpu.memory_space<vmem>>, vector<16xi32>,
        }
        %scan3A_77 = arith.constant 8 : i32
        %dma_start3A_78 = arith.constant 0 : i32
        %dma_start3A_79 = arith.constant 0 : i32
        %dma_start3A_80 = tpu.memref_slice %arg2[%dma_start3A_78, %dma_start3A_79] : memref<10240x128xf32, #tpu.memory_space<hbm>> -> memref<10240x128xf32, #tpu.memory_space<hbm>>
        tpu.enqueue_indirect_dma source(%dma_start3A_80 : memref<10240x128xf32, #tpu.memory_space<hbm>>) target(%arg11 : memref<128x128xf32, #tpu.memory_space<vmem>>) offsets(%arg7 : memref<128xi32, #tpu.memory_space<vmem>>) semaphore(%arg14 : memref<!tpu.dma_semaphore, #tpu.memory_space<semaphore_mem>>)
      } else {
      }
      %dma_wait3A_64 = arith.constant 0 : i32
      %dma_wait3A_65 = arith.constant 0 : i32
      %dma_wait3A_66 = tpu.memref_slice %arg2[%dma_wait3A_64, %dma_wait3A_65] : memref<10240x128xf32, #tpu.memory_space<hbm>> -> memref<128x128xf32, #tpu.memory_space<hbm>>
      %dma_wait3A_67 = arith.constant 0 : i32
      %dma_wait3A_68 = arith.constant 0 : i32
      %dma_wait3A_69 = tpu.memref_slice %arg2[%dma_wait3A_67, %dma_wait3A_68] : memref<10240x128xf32, #tpu.memory_space<hbm>> -> memref<128x128xf32, #tpu.memory_space<hbm>>
      tpu.wait_dma2 semaphore(%arg15 : memref<!tpu.dma_semaphore, #tpu.memory_space<semaphore_mem>>) src(%dma_wait3A_69 : memref<128x128xf32, #tpu.memory_space<hbm>>) dst(%arg12 : memref<128x128xf32, #tpu.memory_space<vmem>>)
      "tpu.region"() ({
        %run_scoped3A = tpu.sem_alloc : memref<!tpu.dma_semaphore, #tpu.memory_space<semaphore_mem>>
        %dma_start3A_70 = arith.constant 0 : i32
        %dma_start3A_71 = arith.constant 0 : i32
        %dma_start3A_72 = tpu.memref_slice %arg13[%dma_start3A_70, %dma_start3A_71] : memref<10240x128xf32, #tpu.memory_space<vmem_shared>> -> memref<10240x128xf32, #tpu.memory_space<vmem_shared>>
        tpu.enqueue_indirect_dma source(%arg12 : memref<128x128xf32, #tpu.memory_space<vmem>>) target(%dma_start3A_72 : memref<10240x128xf32, #tpu.memory_space<vmem_shared>>) offsets(%arg10 : memref<128xi32, #tpu.memory_space<vmem>>) semaphore(%run_scoped3A : memref<!tpu.dma_semaphore, #tpu.memory_space<semaphore_mem>>) {add = true}
        %dma_wait3A_73 = arith.constant 0 : i32
        %dma_wait3A_74 = arith.constant 0 : i32
        %dma_wait3A_75 = tpu.memref_slice %arg13[%dma_wait3A_73, %dma_wait3A_74] : memref<10240x128xf32, #tpu.memory_space<vmem_shared>> -> memref<10240x128xf32, #tpu.memory_space<vmem_shared>>
        tpu.wait_indirect_dma semaphore(%run_scoped3A : memref<!tpu.dma_semaphore, #tpu.memory_space<semaphore_mem>>) src(%arg12 : memref<128x128xf32, #tpu.memory_space<vmem>>) dst(%dma_wait3A_75 : memref<10240x128xf32, #tpu.memory_space<vmem_shared>>)
        tpu.yield
      }) : () -> ()
    }
    %barrier3A_38 = arith.constant 0 : index
    tpu.barrier barrier_id(%barrier3A_38)
    %mul3A = arith.constant 640 : i32
    %mul3A_39 = arith.muli %arg1, %mul3A : i32
    %mul3A_40 = arith.constant 640 : i32
    %mul3A_41 = arith.muli %arg1, %mul3A_40 : i32
    "tpu.region"() ({
      %run_scoped3A = tpu.sem_alloc : memref<!tpu.dma_semaphore, #tpu.memory_space<semaphore_mem>>
      %dma_start3A_42 = arith.constant 0 : i32
      %dma_start3A_43 = tpu.memref_slice %arg5[%arg0, %mul3A_41, %dma_start3A_42] : memref<2x10240x128xf32, #tpu.memory_space<hbm>> -> memref<1x640x128xf32, #tpu.memory_space<hbm>>
      %dma_start3A_44 = tpu.memref_squeeze %dma_start3A_43 : memref<1x640x128xf32, #tpu.memory_space<hbm>> -> memref<640x128xf32, #tpu.memory_space<hbm>>
      %dma_start3A_45 = arith.constant 0 : i32
      %dma_start3A_46 = tpu.memref_slice %arg13[%mul3A_39, %dma_start3A_45] : memref<10240x128xf32, #tpu.memory_space<vmem_shared>> -> memref<640x128xf32, #tpu.memory_space<vmem_shared>>
      tpu.enqueue_dma source(%dma_start3A_46 : memref<640x128xf32, #tpu.memory_space<vmem_shared>>) target(%dma_start3A_44 : memref<640x128xf32, #tpu.memory_space<hbm>>) target_semaphore(%run_scoped3A : memref<!tpu.dma_semaphore, #tpu.memory_space<semaphore_mem>>)
      %dma_wait3A = arith.constant 0 : i32
      %dma_wait3A_47 = tpu.memref_slice %arg5[%arg0, %mul3A_41, %dma_wait3A] : memref<2x10240x128xf32, #tpu.memory_space<hbm>> -> memref<1x640x128xf32, #tpu.memory_space<hbm>>
      %dma_wait3A_48 = tpu.memref_squeeze %dma_wait3A_47 : memref<1x640x128xf32, #tpu.memory_space<hbm>> -> memref<640x128xf32, #tpu.memory_space<hbm>>
      %dma_wait3A_49 = arith.constant 0 : i32
      %dma_wait3A_50 = tpu.memref_slice %arg13[%mul3A_39, %dma_wait3A_49] : memref<10240x128xf32, #tpu.memory_space<vmem_shared>> -> memref<640x128xf32, #tpu.memory_space<vmem_shared>>
      tpu.wait_dma2 semaphore(%run_scoped3A : memref<!tpu.dma_semaphore, #tpu.memory_space<semaphore_mem>>) src(%dma_wait3A_50 : memref<640x128xf32, #tpu.memory_space<vmem_shared>>) dst(%dma_wait3A_48 : memref<640x128xf32, #tpu.memory_space<hbm>>)
      tpu.yield
    }) : () -> ()
    return
  }
}

module attributes {stable_mosaic.version = 14 : i64} {
  func.func @_ew_body(%arg0: i32, %arg1: memref<2x512x128xf32, #tpu.memory_space<vmem>>, %arg2: memref<512x128xf32, #tpu.memory_space<vmem>>, %arg3: memref<2x512xf32, #tpu.memory_space<vmem>>, %arg4: memref<1x128xf32, #tpu.memory_space<vmem>>, %arg5: memref<512x128xf32, #tpu.memory_space<vmem>>) attributes {dimension_semantics = [#tpu.dimension_semantics<arbitrary>], iteration_bounds = array<i64: 20>, scalar_prefetch = 0 : i64, scratch_operands = 0 : i64, tpu.core_type = #tpu.core_type<tc>, window_params = [{transform_indices = @transform_0, window_bounds = array<i64: 2, 512, 128>}, {transform_indices = @transform_1, window_bounds = array<i64: 512, 128>}, {transform_indices = @transform_2, window_bounds = array<i64: 2, 512>}, {pipeline_mode = #tpu.pipeline_mode<synchronous>, transform_indices = @transform_3, window_bounds = array<i64: 1, 128>}, {transform_indices = @transform_4, window_bounds = array<i64: 512, 128>}]} {
    %get3A = arith.constant 0 : index
    %get3A_0 = arith.constant 0 : index
    %get3A_1 = vector.load %arg3[%get3A, %get3A_0] : memref<2x512xf32, #tpu.memory_space<vmem>>, vector<1x512xf32>
    %get3A_2 = vector.shape_cast %get3A_1 : vector<1x512xf32> to vector<512xf32>
    %get3A_3 = arith.constant 1 : index
    %get3A_4 = arith.constant 0 : index
    %get3A_5 = vector.load %arg3[%get3A_3, %get3A_4] : memref<2x512xf32, #tpu.memory_space<vmem>>, vector<1x512xf32>
    %get3A_6 = vector.shape_cast %get3A_5 : vector<1x512xf32> to vector<512xf32>
    %add3A = arith.addf %get3A_2, %get3A_6 : vector<512xf32>
    %add3A_7 = arith.constant 1.000000e+00 : f32
    %add3A_8 = vector.broadcast %add3A_7 : f32 to vector<512xf32>
    %add3A_9 = arith.addf %add3A, %add3A_8 : vector<512xf32>
    %rsqrt3A = math.rsqrt %add3A_9 : vector<512xf32>
    %broadcast_in_dim3A = vector.shape_cast %rsqrt3A : vector<512xf32> to vector<512x1xf32>
    %get3A_10 = arith.constant 0 : index
    %get3A_11 = arith.constant 0 : index
    %get3A_12 = arith.constant 0 : index
    %get3A_13 = vector.load %arg1[%get3A_10, %get3A_11, %get3A_12] : memref<2x512x128xf32, #tpu.memory_space<vmem>>, vector<1x512x128xf32>
    %get3A_14 = vector.shape_cast %get3A_13 : vector<1x512x128xf32> to vector<512x128xf32>
    %get3A_15 = arith.constant 1 : index
    %get3A_16 = arith.constant 0 : index
    %get3A_17 = arith.constant 0 : index
    %get3A_18 = vector.load %arg1[%get3A_15, %get3A_16, %get3A_17] : memref<2x512x128xf32, #tpu.memory_space<vmem>>, vector<1x512x128xf32>
    %get3A_19 = vector.shape_cast %get3A_18 : vector<1x512x128xf32> to vector<512x128xf32>
    %add3A_20 = arith.addf %get3A_14, %get3A_19 : vector<512x128xf32>
    %get3A_21 = arith.constant 0 : index
    %get3A_22 = arith.constant 0 : index
    %get3A_23 = vector.load %arg2[%get3A_21, %get3A_22] : memref<512x128xf32, #tpu.memory_space<vmem>>, vector<512x128xf32>
    %add3A_24 = arith.addf %add3A_20, %get3A_23 : vector<512x128xf32>
    %mul3A = vector.broadcast %broadcast_in_dim3A : vector<512x1xf32> to vector<512x128xf32>
    %mul3A_25 = arith.mulf %mul3A, %add3A_24 : vector<512x128xf32>
    %get3A_26 = arith.constant 0 : index
    %get3A_27 = arith.constant 0 : index
    %get3A_28 = vector.load %arg4[%get3A_26, %get3A_27] : memref<1x128xf32, #tpu.memory_space<vmem>>, vector<1x128xf32>
    %add3A_29 = vector.broadcast %get3A_28 : vector<1x128xf32> to vector<512x128xf32>
    %add3A_30 = arith.addf %mul3A_25, %add3A_29 : vector<512x128xf32>
    %max3A = arith.constant 0.000000e+00 : f32
    %max3A_31 = vector.broadcast %max3A : f32 to vector<512x128xf32>
    %max3A_32 = arith.maximumf %add3A_30, %max3A_31 : vector<512x128xf32>
    %mul3A_33 = vector.broadcast %broadcast_in_dim3A : vector<512x1xf32> to vector<512x128xf32>
    %mul3A_34 = arith.mulf %max3A_32, %mul3A_33 : vector<512x128xf32>
    %swap3A = arith.constant 0 : index
    %swap3A_35 = arith.constant 0 : index
    %swap3A_36 = vector.load %arg5[%swap3A, %swap3A_35] : memref<512x128xf32, #tpu.memory_space<vmem>>, vector<512x128xf32>
    tpu.vector_store %arg5[%swap3A, %swap3A_35], %mul3A_34 {strides = array<i32>} : memref<512x128xf32, #tpu.memory_space<vmem>>, vector<512x128xf32>,
    return
  }
  func.func @transform_0(%arg0: i32) -> (i32, i32, i32) {
    %c0_i32 = arith.constant 0 : i32
    %c0_i32_0 = arith.constant 0 : i32
    %c0_i32_1 = arith.constant 0 : i32
    return %c0_i32, %arg0, %c0_i32_0 : i32, i32, i32
  }
  func.func @transform_1(%arg0: i32) -> (i32, i32) {
    %c0_i32 = arith.constant 0 : i32
    %c0_i32_0 = arith.constant 0 : i32
    return %arg0, %c0_i32 : i32, i32
  }
  func.func @transform_2(%arg0: i32) -> (i32, i32) {
    %c0_i32 = arith.constant 0 : i32
    %c0_i32_0 = arith.constant 0 : i32
    return %c0_i32, %arg0 : i32, i32
  }
  func.func @transform_3(%arg0: i32) -> (i32, i32) {
    %c0_i32 = arith.constant 0 : i32
    %c0_i32_0 = arith.constant 0 : i32
    %c0_i32_1 = arith.constant 0 : i32
    return %c0_i32, %c0_i32_0 : i32, i32
  }
  func.func @transform_4(%arg0: i32) -> (i32, i32) {
    %c0_i32 = arith.constant 0 : i32
    %c0_i32_0 = arith.constant 0 : i32
    return %arg0, %c0_i32 : i32, i32
  }
}

module attributes {stable_mosaic.version = 14 : i64} {
  func.func @_mm_scale_body(%arg0: i32, %arg1: memref<512x128xf32, #tpu.memory_space<vmem>>, %arg2: memref<128x128xf32, #tpu.memory_space<vmem>>, %arg3: memref<2x512xf32, #tpu.memory_space<vmem>>, %arg4: memref<512x128xf32, #tpu.memory_space<vmem>>) attributes {dimension_semantics = [#tpu.dimension_semantics<arbitrary>], iteration_bounds = array<i64: 20>, scalar_prefetch = 0 : i64, scratch_operands = 0 : i64, tpu.core_type = #tpu.core_type<tc>, window_params = [{transform_indices = @transform_0, window_bounds = array<i64: 512, 128>}, {pipeline_mode = #tpu.pipeline_mode<synchronous>, transform_indices = @transform_1, window_bounds = array<i64: 128, 128>}, {transform_indices = @transform_2, window_bounds = array<i64: 2, 512>}, {transform_indices = @transform_3, window_bounds = array<i64: 512, 128>}]} {
    %get3A = arith.constant 0 : index
    %get3A_0 = arith.constant 0 : index
    %get3A_1 = vector.load %arg3[%get3A, %get3A_0] : memref<2x512xf32, #tpu.memory_space<vmem>>, vector<1x512xf32>
    %get3A_2 = vector.shape_cast %get3A_1 : vector<1x512xf32> to vector<512xf32>
    %get3A_3 = arith.constant 1 : index
    %get3A_4 = arith.constant 0 : index
    %get3A_5 = vector.load %arg3[%get3A_3, %get3A_4] : memref<2x512xf32, #tpu.memory_space<vmem>>, vector<1x512xf32>
    %get3A_6 = vector.shape_cast %get3A_5 : vector<1x512xf32> to vector<512xf32>
    %add3A = arith.addf %get3A_2, %get3A_6 : vector<512xf32>
    %add3A_7 = arith.constant 1.000000e+00 : f32
    %add3A_8 = vector.broadcast %add3A_7 : f32 to vector<512xf32>
    %add3A_9 = arith.addf %add3A, %add3A_8 : vector<512xf32>
    %rsqrt3A = math.rsqrt %add3A_9 : vector<512xf32>
    %get3A_10 = arith.constant 0 : index
    %get3A_11 = arith.constant 0 : index
    %get3A_12 = vector.load %arg1[%get3A_10, %get3A_11] : memref<512x128xf32, #tpu.memory_space<vmem>>, vector<512x128xf32>
    %get3A_13 = arith.constant 0 : index
    %get3A_14 = arith.constant 0 : index
    %get3A_15 = vector.load %arg2[%get3A_13, %get3A_14] : memref<128x128xf32, #tpu.memory_space<vmem>>, vector<128x128xf32>
    %dot_general3A = arith.constant dense<0.000000e+00> : vector<512x128xf32>
    %dot_general3A_16 = tpu.matmul %get3A_12, %get3A_15, %dot_general3A {dimension_numbers = #tpu.dot_dimension_numbers<[1], [0], [0], [1], [0, 0, 1, 1], [], []>, transpose_lhs_hint = false} : vector<512x128xf32>, vector<128x128xf32>, vector<512x128xf32> -> vector<512x128xf32>
    %broadcast_in_dim3A = vector.shape_cast %rsqrt3A : vector<512xf32> to vector<512x1xf32>
    %mul3A = vector.broadcast %broadcast_in_dim3A : vector<512x1xf32> to vector<512x128xf32>
    %mul3A_17 = arith.mulf %dot_general3A_16, %mul3A : vector<512x128xf32>
    %swap3A = arith.constant 0 : index
    %swap3A_18 = arith.constant 0 : index
    %swap3A_19 = vector.load %arg4[%swap3A, %swap3A_18] : memref<512x128xf32, #tpu.memory_space<vmem>>, vector<512x128xf32>
    tpu.vector_store %arg4[%swap3A, %swap3A_18], %mul3A_17 {strides = array<i32>} : memref<512x128xf32, #tpu.memory_space<vmem>>, vector<512x128xf32>,
    return
  }
  func.func @transform_0(%arg0: i32) -> (i32, i32) {
    %c0_i32 = arith.constant 0 : i32
    %c0_i32_0 = arith.constant 0 : i32
    return %arg0, %c0_i32 : i32, i32
  }
  func.func @transform_1(%arg0: i32) -> (i32, i32) {
    %c0_i32 = arith.constant 0 : i32
    %c0_i32_0 = arith.constant 0 : i32
    %c0_i32_1 = arith.constant 0 : i32
    return %c0_i32, %c0_i32_0 : i32, i32
  }
  func.func @transform_2(%arg0: i32) -> (i32, i32) {
    %c0_i32 = arith.constant 0 : i32
    %c0_i32_0 = arith.constant 0 : i32
    return %c0_i32, %arg0 : i32, i32
  }
  func.func @transform_3(%arg0: i32) -> (i32, i32) {
    %c0_i32 = arith.constant 0 : i32
    %c0_i32_0 = arith.constant 0 : i32
    return %arg0, %c0_i32 : i32, i32
  }
}

module attributes {stable_mosaic.version = 14 : i64} {
  func.func @_fin_body(%arg0: i32, %arg1: memref<2x512x128xf32, #tpu.memory_space<vmem>>, %arg2: memref<512x128xf32, #tpu.memory_space<vmem>>, %arg3: memref<2x512xf32, #tpu.memory_space<vmem>>, %arg4: memref<128x256xf32, #tpu.memory_space<vmem>>, %arg5: memref<1x256xf32, #tpu.memory_space<vmem>>, %arg6: memref<512x256xf32, #tpu.memory_space<vmem>>) attributes {dimension_semantics = [#tpu.dimension_semantics<arbitrary>], iteration_bounds = array<i64: 20>, scalar_prefetch = 0 : i64, scratch_operands = 0 : i64, tpu.core_type = #tpu.core_type<tc>, window_params = [{transform_indices = @transform_0, window_bounds = array<i64: 2, 512, 128>}, {transform_indices = @transform_1, window_bounds = array<i64: 512, 128>}, {transform_indices = @transform_2, window_bounds = array<i64: 2, 512>}, {pipeline_mode = #tpu.pipeline_mode<synchronous>, transform_indices = @transform_3, window_bounds = array<i64: 128, 256>}, {pipeline_mode = #tpu.pipeline_mode<synchronous>, transform_indices = @transform_4, window_bounds = array<i64: 1, 256>}, {transform_indices = @transform_5, window_bounds = array<i64: 512, 256>}]} {
    %get3A = arith.constant 0 : index
    %get3A_0 = arith.constant 0 : index
    %get3A_1 = vector.load %arg3[%get3A, %get3A_0] : memref<2x512xf32, #tpu.memory_space<vmem>>, vector<1x512xf32>
    %get3A_2 = vector.shape_cast %get3A_1 : vector<1x512xf32> to vector<512xf32>
    %get3A_3 = arith.constant 1 : index
    %get3A_4 = arith.constant 0 : index
    %get3A_5 = vector.load %arg3[%get3A_3, %get3A_4] : memref<2x512xf32, #tpu.memory_space<vmem>>, vector<1x512xf32>
    %get3A_6 = vector.shape_cast %get3A_5 : vector<1x512xf32> to vector<512xf32>
    %add3A = arith.addf %get3A_2, %get3A_6 : vector<512xf32>
    %add3A_7 = arith.constant 1.000000e+00 : f32
    %add3A_8 = vector.broadcast %add3A_7 : f32 to vector<512xf32>
    %add3A_9 = arith.addf %add3A, %add3A_8 : vector<512xf32>
    %rsqrt3A = math.rsqrt %add3A_9 : vector<512xf32>
    %broadcast_in_dim3A = vector.shape_cast %rsqrt3A : vector<512xf32> to vector<512x1xf32>
    %get3A_10 = arith.constant 0 : index
    %get3A_11 = arith.constant 0 : index
    %get3A_12 = arith.constant 0 : index
    %get3A_13 = vector.load %arg1[%get3A_10, %get3A_11, %get3A_12] : memref<2x512x128xf32, #tpu.memory_space<vmem>>, vector<1x512x128xf32>
    %get3A_14 = vector.shape_cast %get3A_13 : vector<1x512x128xf32> to vector<512x128xf32>
    %get3A_15 = arith.constant 1 : index
    %get3A_16 = arith.constant 0 : index
    %get3A_17 = arith.constant 0 : index
    %get3A_18 = vector.load %arg1[%get3A_15, %get3A_16, %get3A_17] : memref<2x512x128xf32, #tpu.memory_space<vmem>>, vector<1x512x128xf32>
    %get3A_19 = vector.shape_cast %get3A_18 : vector<1x512x128xf32> to vector<512x128xf32>
    %add3A_20 = arith.addf %get3A_14, %get3A_19 : vector<512x128xf32>
    %get3A_21 = arith.constant 0 : index
    %get3A_22 = arith.constant 0 : index
    %get3A_23 = vector.load %arg2[%get3A_21, %get3A_22] : memref<512x128xf32, #tpu.memory_space<vmem>>, vector<512x128xf32>
    %add3A_24 = arith.addf %add3A_20, %get3A_23 : vector<512x128xf32>
    %mul3A = vector.broadcast %broadcast_in_dim3A : vector<512x1xf32> to vector<512x128xf32>
    %mul3A_25 = arith.mulf %mul3A, %add3A_24 : vector<512x128xf32>
    %get3A_26 = arith.constant 0 : index
    %get3A_27 = arith.constant 0 : index
    %get3A_28 = vector.load %arg4[%get3A_26, %get3A_27] : memref<128x256xf32, #tpu.memory_space<vmem>>, vector<128x256xf32>
    %dot_general3A = arith.constant dense<0.000000e+00> : vector<512x256xf32>
    %dot_general3A_29 = tpu.matmul %mul3A_25, %get3A_28, %dot_general3A {dimension_numbers = #tpu.dot_dimension_numbers<[1], [0], [0], [1], [0, 0, 1, 1], [], []>, transpose_lhs_hint = false} : vector<512x128xf32>, vector<128x256xf32>, vector<512x256xf32> -> vector<512x256xf32>
    %get3A_30 = arith.constant 0 : index
    %get3A_31 = arith.constant 0 : index
    %get3A_32 = vector.load %arg5[%get3A_30, %get3A_31] : memref<1x256xf32, #tpu.memory_space<vmem>>, vector<1x256xf32>
    %add3A_33 = vector.broadcast %get3A_32 : vector<1x256xf32> to vector<512x256xf32>
    %add3A_34 = arith.addf %dot_general3A_29, %add3A_33 : vector<512x256xf32>
    %swap3A = arith.constant 0 : index
    %swap3A_35 = arith.constant 0 : index
    %swap3A_36 = vector.load %arg6[%swap3A, %swap3A_35] : memref<512x256xf32, #tpu.memory_space<vmem>>, vector<512x256xf32>
    tpu.vector_store %arg6[%swap3A, %swap3A_35], %add3A_34 {strides = array<i32>} : memref<512x256xf32, #tpu.memory_space<vmem>>, vector<512x256xf32>,
    return
  }
  func.func @transform_0(%arg0: i32) -> (i32, i32, i32) {
    %c0_i32 = arith.constant 0 : i32
    %c0_i32_0 = arith.constant 0 : i32
    %c0_i32_1 = arith.constant 0 : i32
    return %c0_i32, %arg0, %c0_i32_0 : i32, i32, i32
  }
  func.func @transform_1(%arg0: i32) -> (i32, i32) {
    %c0_i32 = arith.constant 0 : i32
    %c0_i32_0 = arith.constant 0 : i32
    return %arg0, %c0_i32 : i32, i32
  }
  func.func @transform_2(%arg0: i32) -> (i32, i32) {
    %c0_i32 = arith.constant 0 : i32
    %c0_i32_0 = arith.constant 0 : i32
    return %c0_i32, %arg0 : i32, i32
  }
  func.func @transform_3(%arg0: i32) -> (i32, i32) {
    %c0_i32 = arith.constant 0 : i32
    %c0_i32_0 = arith.constant 0 : i32
    %c0_i32_1 = arith.constant 0 : i32
    return %c0_i32, %c0_i32_0 : i32, i32
  }
  func.func @transform_4(%arg0: i32) -> (i32, i32) {
    %c0_i32 = arith.constant 0 : i32
    %c0_i32_0 = arith.constant 0 : i32
    %c0_i32_1 = arith.constant 0 : i32
    return %c0_i32, %c0_i32_0 : i32, i32
  }
  func.func @transform_5(%arg0: i32) -> (i32, i32) {
    %c0_i32 = arith.constant 0 : i32
    %c0_i32_0 = arith.constant 0 : i32
    return %arg0, %c0_i32 : i32, i32
  }
}

</mosaic_0001>

<sc_bundles>
// kernel: kernel.11.cloned.1.call-start
scs
__scs_entry_jumppad:
0x0: {  	(pc) =	sbr.rel $0x88, $3  }
0x1: {  	(tag) =	ssettag $0x0;
	lr =	simm.s32 $0x1  }
0x2: {  	[smem:$0x3F99] =	sst lr;
	_ =	strace $0xD0000000  }
0x3: {  	_ = 	snop  }
0x4: {  	_ = 	snop  }
0x5: {  	_ = 	snop  }
0x6: {  	_ = 	snop  }
0x7: {  	_ = 	snop  }
__scs_overlays_trampoline_lowered:
0x8: {  	[smem:$0x3FA8] =	sst s0  }
0x9: {  	[smem:$0x3FA9] =	sst s1  }
0xa: {  	[smem:$0x3FAA] =	sst s2  }
0xb: {  	[smem:$0x3FAB] =	sst s3  }
0xc: {  	[smem:$0x3FAC] =	sst s4  }
0xd: {  	[smem:$0x3FAD] =	sst s5  }
0xe: {  	[smem:$0x3FAE] =	sst s6  }
0xf: {  	[smem:$0x3FAF] =	sst s7  }
0x10: {  	[smem:$0x3FB0] =	sst s8  }
0x11: {  	[smem:$0x3FB1] =	sst s9;
	s0 =	simm.s32 @!p0 $0x0  }
0x12: {  	s1 =	sld [smem:$0x3F97];
	s0 =	simm.s32 @p0 $0x1  }
0x13: {  	[smem:$0x3FB2] =	sst s0;
	s0 =	simm.s32 @!p1 $0x0  }
0x14: {  	s2 =	sld [smem:$0x3F96];
	s0 =	simm.s32 @p1 $0x1  }
0x15: {  	[smem:$0x3FB3] =	sst s0;
	s0 =	simm.s32 @!p2 $0x0  }
0x16: {  	s3 =	sld [smem:$0x3FDB];
	s0 =	simm.s32 @p2 $0x1  }
0x17: {  	s4 =	simm.s32 $0x1BF5;
	[smem:$0x3FB5] =	sst s0  }
0x18: {  	s0 =	sld [smem:$0x3F98];
	_ =	swait.ge [sflag:s4], $0x0  }
0x19: {  	s7 =	sld [smem:$0x3F99]  }
0x1a: {  	s8 =	sadd.s32 $0xFFFFE003, lr  }
0x1b: {  	s9 =	sadd.s32 $0xFFFFFEF7, lr;
	s5 =	simm.s32 $0xFFFFFFFF;
	p2 =	slt.u32 s8, $0xFFFFF086  }
0x1c: {  	p1 =	slt.u32 s9, $0xF7A;
	s5 =	simm.s32 @!p2 $0x0  }
0x1d: {  	s5 =	simm.s32 @p1 $0x1;
	p0 =	seq.s32 s7, s2  }
0x1e: {  	s7 =	smul.u32 @!p0 $0xF7A, s2;
	p2 =	seq.s32 @!p0 s5, $0x0  }
0x1f: {  	s9 =	smul.u32 $0xF7A, s1;
	s8 =	simm.s32 @!p0 $0x1BF5;
	p2 =	por !p2, p0  }
0x20: {  	[sflag:s8] =	ssyncset.s32 @!p0 $0xFFFFF086;
	s6 =	sadd.s32 @!p0 s3, s7;
	s7 =	simm.s32 @!p0 $0x108  }
0x21: {  	s3 =	sadd.s32 s3, s9;
	s6 =	sadd.s32 @!p0 $0x88, s6;
	s7 =	simm.s32 @p2 $0x1082  }
0x22: {  	[simem:s7], [sflag:s8] =	dma.local @!p0 [hbm:s6], $0xF7A  }
0x23: {  	s9 =	sor.u32 $0xD0000000, s2;
	s6 =	simm.s32 $0x108;
	_ =	swait.ge @!p0 [sflag:s8], $0x0  }
0x24: {  	s3 =	sadd.s32 $0x88, s3;
	s6 =	simm.s32 @!p1 $0x1082;
	[sflag:s4] =	ssyncset.s32 $0xFFFFF086  }
0x25: {  	[simem:s6], [sflag:s4] =	dma.local [hbm:s3], $0xF7A  }
0x26: {  	[smem:$0x3F99] =	sst s1;
	(tag) =	ssettag s2;
	_ =	strace s9  }
0x27: {  	s1 =	sld [smem:$0x3FA9]  }
0x28: {  	s2 =	sld [smem:$0x3FAA]  }
0x29: {  	s4 =	sld [smem:$0x3FAC]  }
0x2a: {  	p0 =	seq.s32 s5, $0x0;
	s5 =	sld [smem:$0x3FAD]  }
0x2b: {  	s6 =	sld [smem:$0x3FAE]  }
0x2c: {  	s7 =	sld [smem:$0x3FAF]  }
0x2d: {  	s3 =	simm.s32 $0x108;
	s8 =	sld [smem:$0x3FB0]  }
0x2e: {  	s3 =	simm.s32 @!p0 $0x1082;
	s9 =	sld [smem:$0x3FB1]  }
0x2f: {  	lr =	sadd.s32 s0, s3;
	s0 =	sld [smem:$0x3FA8]  }
0x30: {  	s3 =	sld [smem:$0x3FAB]  }
0x31: {  	[smem:$0x3FB4] =	sst s10  }
0x32: {  	s10 =	sld [smem:$0x3FB2];
	_ =	sdelay $0x3  }
0x33: {  	p0 =	seq.s32 s10, $0x1;
	s10 =	sld [smem:$0x3FB4];
	_ =	sdelay $0x3  }
0x34: {  	[smem:$0x3FB4] =	sst s10  }
0x35: {  	s10 =	sld [smem:$0x3FB3];
	_ =	sdelay $0x3  }
0x36: {  	p1 =	seq.s32 s10, $0x1;
	s10 =	sld [smem:$0x3FB4];
	_ =	sdelay $0x3  }
0x37: {  	[smem:$0x3FB4] =	sst s10  }
0x38: {  	s10 =	sld [smem:$0x3FB5]  }
0x39: {  	_ = 	snop;
	(pc) =	sbr.ind lr, $3  }
0x3a: {  	_ = 	snop  }
0x3b: {  	_ = 	snop  }
0x3c: {  	p2 =	seq.s32 s10, $0x1;
	s10 =	sld [smem:$0x3FB4]  }
0x3d: {  	_ =	shalt  }
0x3e: {  	_ =	shalt  }
0x3f: {  	_ =	shalt  }
0x40: {  	_ =	shalt  }
0x41: {  	_ =	shalt  }
0x42: {  	_ =	shalt  }
0x43: {  	_ =	shalt  }
0x44: {  	_ =	shalt  }
0x45: {  	_ =	shalt  }
0x46: {  	_ =	shalt  }
0x47: {  	_ =	shalt  }
0x48: {  	_ =	shalt  }
0x49: {  	_ =	shalt  }
0x4a: {  	_ =	shalt  }
0x4b: {  	_ =	shalt  }
0x4c: {  	_ =	shalt  }
0x4d: {  	_ =	shalt  }
0x4e: {  	_ =	shalt  }
0x4f: {  	_ =	shalt  }
0x50: {  	_ =	shalt  }
0x51: {  	_ =	shalt  }
0x52: {  	_ =	shalt  }
0x53: {  	_ =	shalt  }
0x54: {  	_ =	shalt  }
0x55: {  	_ =	shalt  }
0x56: {  	_ =	shalt  }
0x57: {  	_ =	shalt  }
0x58: {  	_ =	shalt  }
0x59: {  	_ =	shalt  }
0x5a: {  	_ =	shalt  }
0x5b: {  	_ =	shalt  }
0x5c: {  	_ =	shalt  }
0x5d: {  	_ =	shalt  }
0x5e: {  	_ =	shalt  }
0x5f: {  	_ =	shalt  }
0x60: {  	_ =	shalt  }
0x61: {  	_ =	shalt  }
0x62: {  	_ =	shalt  }
0x63: {  	_ =	shalt  }
0x64: {  	_ =	shalt  }
0x65: {  	_ =	shalt  }
0x66: {  	_ =	shalt  }
0x67: {  	_ =	shalt  }
0x68: {  	_ =	shalt  }
0x69: {  	_ =	shalt  }
0x6a: {  	_ =	shalt  }
0x6b: {  	_ =	shalt  }
0x6c: {  	_ =	shalt  }
0x6d: {  	_ =	shalt  }
0x6e: {  	_ =	shalt  }
0x6f: {  	_ =	shalt  }
0x70: {  	_ =	shalt  }
0x71: {  	_ =	shalt  }
0x72: {  	_ =	shalt  }
0x73: {  	_ =	shalt  }
0x74: {  	_ =	shalt  }
0x75: {  	_ =	shalt  }
0x76: {  	_ =	shalt  }
0x77: {  	_ =	shalt  }
0x78: {  	_ =	shalt  }
0x79: {  	_ =	shalt  }
0x7a: {  	_ =	shalt  }
0x7b: {  	_ =	shalt  }
0x7c: {  	_ =	shalt  }
0x7d: {  	_ =	shalt  }
0x7e: {  	_ =	shalt  }
0x7f: {  	_ =	shalt  }
0x80: {  	_ =	shalt  }
0x81: {  	_ =	shalt  }
0x82: {  	_ =	shalt  }
0x83: {  	_ =	shalt  }
0x84: {  	_ =	shalt  }
0x85: {  	_ =	shalt  }
0x86: {  	_ =	shalt  }
0x87: {  	_ =	shalt  }
.Lfunc_end0:
.L_simem_size_0:
called_computation.1_lowered:
.L_overlay_start_0:
0x88: {  	s2 =	sld [smem:$0x3FD9]  }
0x89: {  	s3 =	sld [smem:$0x3FFE];
	_ =	sdelay $0x1  }
0x8a: {  	s1 =	srdreg.scid  }
0x8b: {  	s0 =	sand.u32 $0x1, s1  }
0x8c: {  	s14 =	sshll.u32 s0, $0xA;
	s2 =	sadd.s32 s3, s2  }
0x8d: {  	s2 =	sadd.s32 s2, s14  }
0x8e: {  	[smem:$0x3FC0] =	sst s2  }
0x8f: {  	_ = 	snop  }
0x90: {  	s2 =	sld [smem:$0x3FD0];
	_ =	sdelay $0x2  }
0x91: {  	s15 =	simm.s32 $0xA;
	s4 =	simm.s32 $0x10  }
0x92: {  	[smem:s4], [sflag:s15] =	dma.local [hbm:s2], $0x1  }
0x93: {  	_ =	swait.eq [sflag:s15], $0x1  }
0x94: {  	[sflag:s15] =	ssyncset.done $0x0  }
0x95: {  	[sflag:s15] =	ssyncadd.s32 $0xFFFFFFFF  }
0x96: {  	s16 =	sld [smem:$0x11];
	(tm) =	ssettm $0x1  }
0x97: {  	s17 =	sld [smem:$0x3FFB];
	_ =	sdelay $0x3  }
0x98: {  	_ =	strace s17  }
0x99: {  	s3 =	sld [smem:$0x3FFC];
	_ =	sdelay $0x3  }
0x9a: {  	_ =	strace s3  }
0x9b: {  	s3 =	sld [smem:$0x3FFD];
	_ =	sdelay $0x3  }
0x9c: {  	_ =	strace s3  }
0x9d: {  	_ =	strace $0x8FFFFFFF  }
0x9e: {  	s18 =	sld [smem:$0x3FDB];
	_ =	sdelay $0x1  }
0x9f: {  	s19 =	simm.s32 $_scs_section_size  }
0xa0: {  	s5 =	simm.s32 $_size__tile_overlayer_lowered;
	s6 =	simm.s32 $_tile_overlayer_lowered  }
0xa1: {  	s22 =	simm.s32 $0x1BFF;
	s21 =	sshll.u32 s6, $0x1;
	s3 =	sadd.s32 s19, s18  }
0xa2: {  	s7 =	simm.s32 $0x0;
	s20 =	sshll.u32 s5, $0x1;
	s5 =	sadd.s32 s21, s3  }
0xa3: {  	[timem:s7], [sflag:s22] =	dma.local [hbm:s5], s20  }
0xa4: {  	_ =	swait.ge [sflag:s22], s20  }
0xa5: {  	s4 =	ssub.s32 $0x0, s20;
	[sflag:s22] =	ssyncset.done $0x0  }
0xa6: {  	[sflag:s22] =	ssyncadd.s32 s4;
	_ =	sdelay $0x1  }
0xa7: {  	s23 =	simm.s32 $0x1B8B  }
0xa8: {  	_ =	swait.ge [sflag:s23], $0x1  }
0xa9: {  	[sflag:s23] =	ssyncset.done $0x0  }
0xaa: {  	s25 =	simm.s32 $0x1B8E;
	s24 =	sld [smem:$0x3FFE];
	[sflag:s23] =	ssyncadd.s32 $0xFFFFFFFF  }
0xab: {  	s26 =	simm.s32 $execute0_lowered;
	[smem:$0x3FD2] =	sst s25  }
0xac: {  	s5 =	sshll.u32 s26, $0x1;
	_ =	strace $0x80000049;
	[dreg:$0x1] =	wrdreg $0xFFFFFFFF  }
0xad: {  	s28 =	simm.s32 $_size_execute0_lowered;
	s3 =	sadd.s32 s3, s5;
	[dreg:$0x0] =	wrdreg $0x0  }
0xae: {  	s5 =	sshll.u32 s28, $0x1;
	[dreg:$0x2] =	wrdreg s3  }
0xaf: {  	[dreg:$0x3] =	wrdreg s5  }
0xb0: {  	[dreg:$0x4] =	wrdreg $0xC0  }
0xb1: {  	_ =	task [dreg:s7], $0x5FFFF  }
0xb2: {  	[dreg:$0x1] =	wrdreg $0xFFFFFFFF  }
0xb3: {  	[dreg:$0x0] =	wrdreg $0x60  }
0xb4: {  	[dreg:$0x2] =	wrdreg s24  }
0xb5: {  	[dreg:$0x3] =	wrdreg s16  }
0xb6: {  	[dreg:$0x4] =	wrdreg $0xBE000  }
0xb7: {  	[dreg:$0x5] =	wrdreg $0x9  }
0xb8: {  	_ =	task.clear_ibuf [dreg:s7], $0x6FFFF;
	_ =	strace $0x90000049  }
0xb9: {  	s29 =	simm.s32 $0x9;
	_ =	strace $0x8000004B  }
0xba: {  	_ =	swait.ge [sflag:s29], $0x1  }
0xbb: {  	[sflag:s29] =	ssyncadd.s32 $0xFFFFFFFF  }
0xbc: {  	_ =	strace $0x9000004B  }
0xbd: {  	_ =	sfence  }
0xbe: {  	s30 =	sld [smem:$0x0];
	_ =	sdelay $0x2  }
0xbf: {  	s31 =	sshll.u32 s1, $0xD;
	s1 =	sshrl.u32 s1, $0x2  }
0xc0: {  	s3 =	sand.u32 $0x4000, s31;
	s1 =	sadd.s32 s1, s30  }
0xc1: {  	s0 =	sor.u32 s3, s0;
	s1 =	sshll.u32 s1, $0x11  }
0xc2: {  	s0 =	sor.u32 s1, s0  }
0xc3: {  	s0 =	sadd.s32 $0x8F2B, s0  }
0xc4: {  	[sflag:s0] =	ssyncadd.remote.s32 $0x1  }
0xc5: {  	_ =	sfence.sel $0xFFFF  }
0xc6: {  	[dreg:$0x0] =	wrdreg $0xFFFFFFFF;
	(pc) =	sbr.abs _section_cstart, $3  }
0xc7: {  	[dreg:$0x1] =	wrdreg $0xFFFFFFFF  }
0xc8: {  	_ =	task.clear_ibuf [dreg:s7], $0x2FFFF;
	_ =	strace $0x9FFFFFFF  }
0xc9: {  	(tm) =	ssettm $0x7FFFFFFF  }
tec
execute0_lowered:
.L_overlay_start_1:
0x0: {  	(tag) =	ssettag $0x1  }
0x1: {  	s0 =	rddreg [dreg:$0x0]  }
0x2: {  	s7 =	rddreg [dreg:$0x1]  }
0x3: {  	s1 =	srdreg.scid;
	s2 =	rddreg [dreg:$0x2]  }
0x4: {  	s3 =	simm.s32 $0x0;
	s17 =	simm.s32 $0x3;
	s18 =	simm.s32 $0x80  }
0x5: {  	s20 =	simm.s32 $0x3D00;
	s21 =	simm.s32 $0x7E00;
	s16 =	sand.u32 $0x1, s1  }
0x6: {  	s22 =	simm.s32 $0x1;
	s1 =	stileid.u32;
	s5 =	smul.u32 $0x140000, s16  }
0x7: {  	s23 =	simm.s32 $0x3C80;
	s24 =	simm.s32 $0x2;
	s6 =	smul.u32 $0x14000, s1  }
0x8: {  	s25 =	simm.s32 $0x3D80;
	[smem:$0x7FF] =	sst s3;
	s8 =	smul.u32 $0x280, s1  }
0x9: {  	s4 =	sadd.s32 $0x5E00, s0;
	_ =	strace $0x8000004A;
	s9 =	smul.u32 $0x50000, s1  }
0xa: {  	s29 =	ssub.s32 $0x2, s16;
	p0 =	seq.s32 s16, $0x0;
	s31 =	smul.u32 $0x780, s1  }
0xb: {  	s30 =	sshrl.u32 s29, $0x1;
	s5 =	sadd.s32 s6, s5;
	s28 =	sadd.s32 s8, s0  }
0xc: {  	s11 =	ssub.s32 s29, s30;
	s9 =	sshrl.u32 s9, $0x2;
	s6 =	simm.s32 $0x3B  }
0xd: {  	s7 =	sadd.s32 s7, s31;
	s5 =	sshrl.u32 s5, $0x3;
	s8 =	sadd.s32 s9, s2  }
0xe: {  	s6 =	simm.s32 @!p0 $0x14;
	s11 =	smax.u32 s11, $0x1;
	p0 =	sne.s32 s16, $0x0  }
0xf: {  	s16 =	simm.s32 $0x3E00;
	s0 =	sadd.s32 s5, s0;
	s5 =	sadd.s32 $0x3600, s28  }
0x10: {  	s9 =	sadd.s32 $0xFFFFFFFF, s6;
	s12 =	sadd.s32 $0x4000, s8;
	s13 =	sadd.s32 $0x8000, s8  }
0x11: {  	v0 =	vimm.f32 $0.0e+00;
	s14 =	sadd.s32 $0xC000, s8;
	s15 =	sadd.s32 $0x10000, s8;
	s10 =	sadd.s32 $0x2DE00, s0  }
.LBB2_1:
0x12: {  	s0 =	simm.s32 @p0 $0x0  }
0x13: {  	[tilespmem:s0], [sflag:$0x3] =	stream.linear.gather @p0 [hbm4b:s5+s0], $0x1400, $0x38;
	[tilespmem:$0x1FE00] =	vst v63  }
0x14: {  	s0 =	simm.s32 @p0 $0x3  }
0x15: {  	_ =	swait.ge @p0 [sflag:s0], $0x1400  }
0x16: {  	[sflag:s0] =	ssyncset.done @p0 $0x0  }
0x17: {  	s19 =	simm.s32 @!p0 $0x3;
	[sflag:s0] =	ssyncadd.s32 @p0 $0xFFFFEC00;
	s0 =	simm.s32 @!p0 $0x0  }
0x18: {  	[tilespmem:s0], [sflag:$0x3] =	stream.linear.gather @!p0 [hbm4b:s7+s0], $0x3B00, $0x38;
	[tilespmem:$0x1FE00] =	vst v63  }
0x19: {  	_ =	swait.ge @!p0 [sflag:s19], $0x3B00  }
0x1a: {  	[sflag:s19] =	ssyncset.done @!p0 $0x0  }
0x1b: {  	s0 =	simm.s32 @p0 $0x0;
	[sflag:s19] =	ssyncadd.s32 @!p0 $0xFFFFC500  }
.LBB2_2:
0x1c: {  	s19 =	sshra.s32 s0, $0x2  }
0x1d: {  	[tilespmem:s19+$0x3E00] =	vst v0  }
0x1e: {  	[tilespmem:s19+$0x3E10] =	vst v0  }
0x1f: {  	p1 =	seq.s32 s0, $0xFE00;
	[tilespmem:s19+$0x3E20] =	vst v0  }
.Ltmp0:
0x20: {  	[tilespmem:s19+$0x3E30] =	vst v0;
	(pc) =	sbr.rel @!p1 .LBB2_2-.Ltmp0, $4  }
0x21: {  	[tilespmem:s19+$0x3E40] =	vst v0  }
0x22: {  	[tilespmem:s19+$0x3E50] =	vst v0  }
0x23: {  	[tilespmem:s19+$0x3E60] =	vst v0  }
0x24: {  	s0 =	sadd.s32 $0x200, s0;
	[tilespmem:s19+$0x3E70] =	vst v0  }
0x25: {  	[spmem:s8] =	stream.linear.scatter [tilespmem:s16], [sflag:$0x3], $0x4000, $0x38;
	[tilespmem:$0x1FE00] =	vst v63  }
0x26: {  	_ =	swait.ge [sflag:s17], $0x4000  }
0x27: {  	[sflag:s17] =	ssyncset.done $0x0  }
0x28: {  	[sflag:s17] =	ssyncadd.s32 $0xFFFFC000  }
0x29: {  	[spmem:s12] =	stream.linear.scatter [tilespmem:s16], [sflag:$0x3], $0x4000, $0x38;
	[tilespmem:$0x1FE00] =	vst v63  }
0x2a: {  	_ =	swait.ge [sflag:s17], $0x4000  }
0x2b: {  	[sflag:s17] =	ssyncset.done $0x0  }
0x2c: {  	[sflag:s17] =	ssyncadd.s32 $0xFFFFC000  }
0x2d: {  	[spmem:s13] =	stream.linear.scatter [tilespmem:s16], [sflag:$0x3], $0x4000, $0x38;
	[tilespmem:$0x1FE00] =	vst v63  }
0x2e: {  	_ =	swait.ge [sflag:s17], $0x4000  }
0x2f: {  	[sflag:s17] =	ssyncset.done $0x0  }
0x30: {  	[sflag:s17] =	ssyncadd.s32 $0xFFFFC000  }
0x31: {  	[spmem:s14] =	stream.linear.scatter [tilespmem:s16], [sflag:$0x3], $0x4000, $0x38;
	[tilespmem:$0x1FE00] =	vst v63  }
0x32: {  	_ =	swait.ge [sflag:s17], $0x4000  }
0x33: {  	[sflag:s17] =	ssyncset.done $0x0  }
0x34: {  	[sflag:s17] =	ssyncadd.s32 $0xFFFFC000  }
0x35: {  	[spmem:s15] =	stream.linear.scatter [tilespmem:s16], [sflag:$0x3], $0x4000, $0x38;
	[tilespmem:$0x1FE00] =	vst v63  }
0x36: {  	_ =	swait.ge [sflag:s17], $0x4000  }
0x37: {  	[sflag:s17] =	ssyncset.done $0x0  }
0x38: {  	[sflag:s17] =	ssyncadd.s32 $0xFFFFC000  }
0x39: {  	[bflag:$0x0] =	sbarrier.arrive $0xFFFF  }
0x3a: {  	v1 =	vld [tilespmem:$0x0];
	_ =	sdelay $0x1  }
0x3b: {  	v2 =	vld [tilespmem:$0x10];
	_ =	sdelay $0x1  }
0x3c: {  	v3 =	vld [tilespmem:$0x20]  }
0x3d: {  	v4 =	vshrl.u32 v1, $0x10  }
0x3e: {  	v62 =	vld [tilespmem:$0x30];
	v1 =	vand.u32 $0xFFFF, v1;
	[tilespmem:$0x3C00] =	vst v4  }
0x3f: {  	[tilespmem:$0x3C80] =	vst v1;
	v1 =	vshrl.u32 v2, $0x10  }
0x40: {  	[tilespmem:$0x3C10] =	vst v1;
	v1 =	vand.u32 $0xFFFF, v2;
	v2 =	vld [tilespmem:$0x40]  }
0x41: {  	[tilespmem:$0x3C90] =	vst v1;
	v1 =	vshrl.u32 v3, $0x10  }
0x42: {  	[tilespmem:$0x3C20] =	vst v1;
	v1 =	vand.u32 $0xFFFF, v3;
	v3 =	vld [tilespmem:$0x50]  }
0x43: {  	[tilespmem:$0x3CA0] =	vst v1;
	v1 =	vshrl.u32 v62, $0x10  }
0x44: {  	v63 =	vld [tilespmem:$0x60];
	[tilespmem:$0x3C30] =	vst v1;
	v1 =	vand.u32 $0xFFFF, v62  }
0x45: {  	[tilespmem:$0x3CB0] =	vst v1;
	v1 =	vshrl.u32 v2, $0x10  }
0x46: {  	[tilespmem:$0x3C40] =	vst v1;
	v1 =	vand.u32 $0xFFFF, v2;
	v2 =	vld [tilespmem:$0x70]  }
0x47: {  	[tilespmem:$0x3CC0] =	vst v1;
	v1 =	vshrl.u32 v3, $0x10  }
0x48: {  	[tilespmem:$0x3C50] =	vst v1;
	v1 =	vand.u32 $0xFFFF, v3  }
0x49: {  	[tilespmem:$0x3CD0] =	vst v1;
	v1 =	vshrl.u32 v63, $0x10  }
0x4a: {  	[tilespmem:$0x3C60] =	vst v1;
	v1 =	vand.u32 $0xFFFF, v63  }
0x4b: {  	[tilespmem:$0x3CE0] =	vst v1;
	v1 =	vshrl.u32 v2, $0x10  }
0x4c: {  	[tilespmem:$0x3C70] =	vst v1;
	v1 =	vand.u32 $0xFFFF, v2  }
0x4d: {  	s0 =	simm.s32 $0x3C00;
	s26 =	simm.s32 $0xC0;
	[tilespmem:$0x3CF0] =	vst v1  }
0x4e: {  	[tilespmem:s16], [sflag:$0x1] =	stream.indirect.gather [hbm4b:s4+s18], $0x80, s0, s18, $0xb8;
	[tilespmem:$0x1FE00] =	vst v63  }
0x4f: {  	v1 =	vld [tilespmem:s26+$0xFFFFFFC0];
	_ =	sdelay $0x4  }
0x50: {  	v2 =	vshrl.u32 v1, $0x10  }
0x51: {  	v1 =	vand.u32 $0xFFFF, v1;
	[tilespmem:$0x3D00] =	vst v2  }
0x52: {  	[tilespmem:$0x3D80] =	vst v1  }
0x53: {  	v1 =	vld [tilespmem:s26+$0xFFFFFFD0];
	_ =	sdelay $0x4  }
0x54: {  	v2 =	vshrl.u32 v1, $0x10  }
0x55: {  	v1 =	vand.u32 $0xFFFF, v1;
	[tilespmem:$0x3D10] =	vst v2  }
0x56: {  	[tilespmem:$0x3D90] =	vst v1  }
0x57: {  	v1 =	vld [tilespmem:s26+$0xFFFFFFE0];
	_ =	sdelay $0x4  }
0x58: {  	v2 =	vshrl.u32 v1, $0x10  }
0x59: {  	v1 =	vand.u32 $0xFFFF, v1;
	[tilespmem:$0x3D20] =	vst v2  }
0x5a: {  	[tilespmem:$0x3DA0] =	vst v1  }
0x5b: {  	v1 =	vld [tilespmem:s26+$0xFFFFFFF0];
	_ =	sdelay $0x4  }
0x5c: {  	v2 =	vshrl.u32 v1, $0x10  }
0x5d: {  	v1 =	vand.u32 $0xFFFF, v1;
	[tilespmem:$0x3D30] =	vst v2  }
0x5e: {  	[tilespmem:$0x3DB0] =	vst v1  }
0x5f: {  	v1 =	vld [tilespmem:s26+$0x0];
	_ =	sdelay $0x4  }
0x60: {  	v2 =	vshrl.u32 v1, $0x10  }
0x61: {  	v1 =	vand.u32 $0xFFFF, v1;
	[tilespmem:$0x3D40] =	vst v2  }
0x62: {  	[tilespmem:$0x3DC0] =	vst v1  }
0x63: {  	v1 =	vld [tilespmem:s26+$0x10];
	_ =	sdelay $0x4  }
0x64: {  	v2 =	vshrl.u32 v1, $0x10  }
0x65: {  	v1 =	vand.u32 $0xFFFF, v1;
	[tilespmem:$0x3D50] =	vst v2  }
0x66: {  	[tilespmem:$0x3DD0] =	vst v1  }
0x67: {  	v1 =	vld [tilespmem:s26+$0x20];
	_ =	sdelay $0x4  }
0x68: {  	v2 =	vshrl.u32 v1, $0x10  }
0x69: {  	v1 =	vand.u32 $0xFFFF, v1;
	[tilespmem:$0x3D60] =	vst v2  }
0x6a: {  	[tilespmem:$0x3DE0] =	vst v1  }
0x6b: {  	v1 =	vld [tilespmem:s26+$0x30];
	_ =	sdelay $0x4  }
0x6c: {  	v2 =	vshrl.u32 v1, $0x10  }
0x6d: {  	v1 =	vand.u32 $0xFFFF, v1;
	[tilespmem:$0x3D70] =	vst v2  }
0x6e: {  	[tilespmem:$0x3DF0] =	vst v1  }
0x6f: {  	[tilespmem:s21], [sflag:$0x2] =	stream.indirect.gather [hbm4b:s4+s18], $0x80, s20, s18, $0xb8;
	[tilespmem:$0x1FE00] =	vst v63  }
0x70: {  	_ =	swait.ge [sflag:s22], $0x4000  }
0x71: {  	[sflag:s22] =	ssyncset.done $0x0  }
0x72: {  	[sflag:s22] =	ssyncadd.s32 $0xFFFFC000  }
0x73: {  	[spmem:s2] =	stream.indirect.scatter.add.f32 [tilespmem:s16], [sflag:$0x3], $0x80, s23, s18, $0xb8;
	[tilespmem:$0x1FE00] =	vst v63  }
0x74: {  	_ =	swait.ge [sflag:s17], $0x4000  }
0x75: {  	[sflag:s17] =	ssyncset.done $0x0  }
0x76: {  	p2 =	sle.u32 s9, $0x0;
	[sflag:s17] =	ssyncadd.s32 $0xFFFFC000  }
0x77: {  	v1 =	vld @!p2 [tilespmem:s26+$0x40];
	_ =	sdelay $0x4  }
0x78: {  	v2 =	vshrl.u32 @!p2 v1, $0x10  }
0x79: {  	v1 =	vand.u32 @!p2 $0xFFFF, v1;
	[tilespmem:$0x3C00] =	vst @!p2 v2  }
0x7a: {  	[tilespmem:$0x3C80] =	vst @!p2 v1  }
0x7b: {  	v1 =	vld @!p2 [tilespmem:s26+$0x50];
	_ =	sdelay $0x4  }
0x7c: {  	v2 =	vshrl.u32 @!p2 v1, $0x10  }
0x7d: {  	v1 =	vand.u32 @!p2 $0xFFFF, v1;
	[tilespmem:$0x3C10] =	vst @!p2 v2  }
0x7e: {  	[tilespmem:$0x3C90] =	vst @!p2 v1  }
0x7f: {  	v1 =	vld @!p2 [tilespmem:s26+$0x60];
	_ =	sdelay $0x4  }
0x80: {  	v2 =	vshrl.u32 @!p2 v1, $0x10  }
0x81: {  	v1 =	vand.u32 @!p2 $0xFFFF, v1;
	[tilespmem:$0x3C20] =	vst @!p2 v2  }
0x82: {  	[tilespmem:$0x3CA0] =	vst @!p2 v1  }
0x83: {  	v1 =	vld @!p2 [tilespmem:s26+$0x70];
	_ =	sdelay $0x4  }
0x84: {  	v2 =	vshrl.u32 @!p2 v1, $0x10  }
0x85: {  	v1 =	vand.u32 @!p2 $0xFFFF, v1;
	[tilespmem:$0x3C30] =	vst @!p2 v2  }
0x86: {  	[tilespmem:$0x3CB0] =	vst @!p2 v1  }
0x87: {  	v1 =	vld @!p2 [tilespmem:s26+$0x80];
	_ =	sdelay $0x4  }
0x88: {  	v2 =	vshrl.u32 @!p2 v1, $0x10  }
0x89: {  	v1 =	vand.u32 @!p2 $0xFFFF, v1;
	[tilespmem:$0x3C40] =	vst @!p2 v2  }
0x8a: {  	[tilespmem:$0x3CC0] =	vst @!p2 v1  }
0x8b: {  	v1 =	vld @!p2 [tilespmem:s26+$0x90];
	_ =	sdelay $0x4  }
0x8c: {  	v2 =	vshrl.u32 @!p2 v1, $0x10  }
0x8d: {  	v1 =	vand.u32 @!p2 $0xFFFF, v1;
	[tilespmem:$0x3C50] =	vst @!p2 v2  }
0x8e: {  	[tilespmem:$0x3CD0] =	vst @!p2 v1  }
0x8f: {  	v1 =	vld @!p2 [tilespmem:s26+$0xA0]  }
0x90: {  	p1 =	sne.s32 s6, $0x1  }
.Ltmp1:
0x91: {  	_ = 	snop;
	(pc) =	sbr.rel @!p1 .LBB2_5-.Ltmp1, $3  }
0x92: {  	_ =	sdelay $0x1  }
0x93: {  	s28 =	simm.s32 $0x1;
	s29 =	simm.s32 $0xC0;
	v2 =	vshrl.u32 @!p2 v1, $0x10  }
0x94: {  	s31 =	simm.s32 @!p2 $0x80;
	s19 =	simm.s32 @!p2 $0x3E00;
	s0 =	simm.s32 @!p2 $0x3C00;
	v1 =	vand.u32 @!p2 $0xFFFF, v1;
	[tilespmem:$0x3C60] =	vst @!p2 v2  }
.LBB2_4:
0x95: {  	[tilespmem:$0x3CE0] =	vst @!p2 v1;
	s29 =	sadd.s32 $0x100, s29;
	s30 =	smov.u32 s28;
	s28 =	sadd.s32 $0x1, s28  }
0x96: {  	p1 =	sne.s32 s6, s28;
	v1 =	vld @!p2 [tilespmem:s26+$0xB0];
	s26 =	smov.u32 s29;
	_ =	sdelay $0x4  }
0x97: {  	v2 =	vshrl.u32 @!p2 v1, $0x10;
	v1 =	vand.u32 @!p2 $0xFFFF, v1  }
0x98: {  	[tilespmem:$0x3C70] =	vst @!p2 v2  }
0x99: {  	[tilespmem:$0x3CF0] =	vst @!p2 v1  }
0x9a: {  	[tilespmem:s19], [sflag:$0x1] =	stream.indirect.gather @!p2 [hbm4b:s4+s31], $0x80, s0, s31, $0xb8;
	[tilespmem:$0x1FE00] =	vst v63  }
0x9b: {  	_ =	swait.ge [sflag:s24], $0x4000  }
0x9c: {  	[sflag:s24] =	ssyncset.done $0x0  }
0x9d: {  	[sflag:s24] =	ssyncadd.s32 $0xFFFFC000  }
0x9e: {  	[spmem:s2] =	stream.indirect.scatter.add.f32 [tilespmem:s21], [sflag:$0x3], $0x80, s25, s18, $0xb8;
	[tilespmem:$0x1FE00] =	vst v63  }
0x9f: {  	_ =	swait.ge [sflag:s17], $0x4000  }
0xa0: {  	[sflag:s17] =	ssyncset.done $0x0  }
0xa1: {  	[sflag:s17] =	ssyncadd.s32 $0xFFFFC000  }
0xa2: {  	v1 =	vld [tilespmem:s29+$0xFFFFFFC0];
	_ =	sdelay $0x4  }
0xa3: {  	v2 =	vshrl.u32 v1, $0x10;
	v1 =	vand.u32 $0xFFFF, v1  }
0xa4: {  	[tilespmem:$0x3D00] =	vst v2  }
0xa5: {  	[tilespmem:$0x3D80] =	vst v1  }
0xa6: {  	v1 =	vld [tilespmem:s29+$0xFFFFFFD0];
	_ =	sdelay $0x4  }
0xa7: {  	v2 =	vshrl.u32 v1, $0x10;
	v1 =	vand.u32 $0xFFFF, v1  }
0xa8: {  	[tilespmem:$0x3D10] =	vst v2  }
0xa9: {  	[tilespmem:$0x3D90] =	vst v1  }
0xaa: {  	v1 =	vld [tilespmem:s29+$0xFFFFFFE0];
	_ =	sdelay $0x4  }
0xab: {  	v2 =	vshrl.u32 v1, $0x10;
	v1 =	vand.u32 $0xFFFF, v1  }
0xac: {  	[tilespmem:$0x3D20] =	vst v2  }
0xad: {  	[tilespmem:$0x3DA0] =	vst v1  }
0xae: {  	v1 =	vld [tilespmem:s29+$0xFFFFFFF0];
	_ =	sdelay $0x4  }
0xaf: {  	v2 =	vshrl.u32 v1, $0x10;
	v1 =	vand.u32 $0xFFFF, v1  }
0xb0: {  	[tilespmem:$0x3D30] =	vst v2  }
0xb1: {  	[tilespmem:$0x3DB0] =	vst v1  }
0xb2: {  	v1 =	vld [tilespmem:s29+$0x0];
	_ =	sdelay $0x4  }
0xb3: {  	v2 =	vshrl.u32 v1, $0x10;
	v1 =	vand.u32 $0xFFFF, v1  }
0xb4: {  	[tilespmem:$0x3D40] =	vst v2  }
0xb5: {  	[tilespmem:$0x3DC0] =	vst v1  }
0xb6: {  	v1 =	vld [tilespmem:s29+$0x10];
	_ =	sdelay $0x4  }
0xb7: {  	v2 =	vshrl.u32 v1, $0x10;
	v1 =	vand.u32 $0xFFFF, v1  }
0xb8: {  	[tilespmem:$0x3D50] =	vst v2  }
0xb9: {  	[tilespmem:$0x3DD0] =	vst v1  }
0xba: {  	v1 =	vld [tilespmem:s29+$0x20];
	_ =	sdelay $0x4  }
0xbb: {  	v2 =	vshrl.u32 v1, $0x10;
	v1 =	vand.u32 $0xFFFF, v1  }
0xbc: {  	[tilespmem:$0x3D60] =	vst v2  }
0xbd: {  	[tilespmem:$0x3DE0] =	vst v1  }
0xbe: {  	v1 =	vld [tilespmem:s29+$0x30];
	_ =	sdelay $0x4  }
0xbf: {  	v2 =	vshrl.u32 v1, $0x10;
	v1 =	vand.u32 $0xFFFF, v1  }
0xc0: {  	[tilespmem:$0x3D70] =	vst v2  }
0xc1: {  	[tilespmem:$0x3DF0] =	vst v1  }
0xc2: {  	[tilespmem:s21], [sflag:$0x2] =	stream.indirect.gather [hbm4b:s4+s18], $0x80, s20, s18, $0xb8;
	[tilespmem:$0x1FE00] =	vst v63  }
0xc3: {  	_ =	swait.ge [sflag:s22], $0x4000  }
0xc4: {  	[sflag:s22] =	ssyncset.done $0x0  }
0xc5: {  	[sflag:s22] =	ssyncadd.s32 $0xFFFFC000  }
0xc6: {  	[spmem:s2] =	stream.indirect.scatter.add.f32 [tilespmem:s16], [sflag:$0x3], $0x80, s23, s18, $0xb8;
	[tilespmem:$0x1FE00] =	vst v63  }
0xc7: {  	_ =	swait.ge [sflag:s17], $0x4000  }
0xc8: {  	[sflag:s17] =	ssyncset.done $0x0  }
0xc9: {  	p2 =	sge.u32 s30, s9;
	[sflag:s17] =	ssyncadd.s32 $0xFFFFC000  }
0xca: {  	v1 =	vld @!p2 [tilespmem:s29+$0x40];
	_ =	sdelay $0x4  }
0xcb: {  	v2 =	vshrl.u32 @!p2 v1, $0x10;
	v1 =	vand.u32 @!p2 $0xFFFF, v1  }
0xcc: {  	[tilespmem:$0x3C00] =	vst @!p2 v2  }
0xcd: {  	[tilespmem:$0x3C80] =	vst @!p2 v1  }
0xce: {  	v1 =	vld @!p2 [tilespmem:s29+$0x50];
	_ =	sdelay $0x4  }
0xcf: {  	v2 =	vshrl.u32 @!p2 v1, $0x10;
	v1 =	vand.u32 @!p2 $0xFFFF, v1  }
0xd0: {  	[tilespmem:$0x3C10] =	vst @!p2 v2  }
0xd1: {  	[tilespmem:$0x3C90] =	vst @!p2 v1  }
0xd2: {  	v1 =	vld @!p2 [tilespmem:s29+$0x60];
	_ =	sdelay $0x4  }
0xd3: {  	v2 =	vshrl.u32 @!p2 v1, $0x10;
	v1 =	vand.u32 @!p2 $0xFFFF, v1  }
0xd4: {  	[tilespmem:$0x3C20] =	vst @!p2 v2  }
0xd5: {  	[tilespmem:$0x3CA0] =	vst @!p2 v1  }
0xd6: {  	v1 =	vld @!p2 [tilespmem:s29+$0x70];
	_ =	sdelay $0x4  }
0xd7: {  	v2 =	vshrl.u32 @!p2 v1, $0x10;
	v1 =	vand.u32 @!p2 $0xFFFF, v1  }
0xd8: {  	[tilespmem:$0x3C30] =	vst @!p2 v2  }
0xd9: {  	[tilespmem:$0x3CB0] =	vst @!p2 v1  }
0xda: {  	v1 =	vld @!p2 [tilespmem:s29+$0x80];
	_ =	sdelay $0x4  }
0xdb: {  	v2 =	vshrl.u32 @!p2 v1, $0x10;
	v1 =	vand.u32 @!p2 $0xFFFF, v1  }
0xdc: {  	[tilespmem:$0x3C40] =	vst @!p2 v2  }
0xdd: {  	[tilespmem:$0x3CC0] =	vst @!p2 v1  }
0xde: {  	v1 =	vld @!p2 [tilespmem:s29+$0x90];
	_ =	sdelay $0x4  }
0xdf: {  	v2 =	vshrl.u32 @!p2 v1, $0x10;
	v1 =	vand.u32 @!p2 $0xFFFF, v1  }
0xe0: {  	[tilespmem:$0x3C50] =	vst @!p2 v2  }
0xe1: {  	s31 =	simm.s32 @!p2 $0x80;
	s0 =	simm.s32 @!p2 $0x3C00;
	s19 =	simm.s32 @!p2 $0x3E00;
	[tilespmem:$0x3CD0] =	vst @!p2 v1  }
0xe2: {  	v1 =	vld @!p2 [tilespmem:s29+$0xA0];
	_ =	sdelay $0x1  }
.Ltmp2:
0xe3: {  	(pc) =	sbr.rel @p1 .LBB2_4-.Ltmp2, $3  }
0xe4: {  	_ =	sdelay $0x1  }
0xe5: {  	v2 =	vshrl.u32 @!p2 v1, $0x10;
	v1 =	vand.u32 @!p2 $0xFFFF, v1  }
0xe6: {  	[tilespmem:$0x3C60] =	vst @!p2 v2  }
.LBB2_5:
0xe7: {  	[tilespmem:$0x3CE0] =	vst @!p2 v1  }
0xe8: {  	v1 =	vld @!p2 [tilespmem:s26+$0xB0];
	_ =	sdelay $0x4  }
0xe9: {  	v2 =	vshrl.u32 @!p2 v1, $0x10  }
0xea: {  	v1 =	vand.u32 @!p2 $0xFFFF, v1;
	[tilespmem:$0x3C70] =	vst @!p2 v2  }
0xeb: {  	[tilespmem:$0x3CF0] =	vst @!p2 v1  }
0xec: {  	[tilespmem:s19], [sflag:$0x1] =	stream.indirect.gather @!p2 [hbm4b:s4+s31], $0x80, s0, s31, $0xb8;
	[tilespmem:$0x1FE00] =	vst v63  }
0xed: {  	_ =	swait.ge [sflag:s24], $0x4000  }
0xee: {  	[sflag:s24] =	ssyncset.done $0x0  }
0xef: {  	[sflag:s24] =	ssyncadd.s32 $0xFFFFC000  }
0xf0: {  	[spmem:s2] =	stream.indirect.scatter.add.f32 [tilespmem:s21], [sflag:$0x3], $0x80, s25, s18, $0xb8;
	[tilespmem:$0x1FE00] =	vst v63  }
0xf1: {  	_ =	swait.ge [sflag:s17], $0x4000  }
0xf2: {  	s30 =	sshll.u32 s1, $0x6;
	s3 =	sadd.s32 $0x1, s3;
	[sflag:s17] =	ssyncset.done $0x0  }
0xf3: {  	p1 =	sne.s32 s3, s11;
	s0 =	sor.u32 $0x1C03, s30;
	[sflag:s17] =	ssyncadd.s32 $0xFFFFC000  }
.Ltmp3:
0xf4: {  	s31 =	sshrl.u32 s8, $0x3;
	[bflag:$0x0] =	sbarrier.arrive $0xFFFF;
	(pc) =	sbr.rel @p1 .LBB2_1-.Ltmp3, $4  }
0xf5: {  	[hbm:s10], [sflag:s0] =	dma.local [spmem:s31], $0x2800  }
0xf6: {  	_ =	swait.ge [sflag:s17], $0x2800  }
0xf7: {  	[sflag:s17] =	ssyncset.done $0x0  }
0xf8: {  	[sflag:s17] =	ssyncadd.s32 $0xFFFFD800  }
0xf9: {  	_ =	sfence.sel $0x180000  }
0xfa: {  	[bflag:$0x0] =	sbarrier.arrive $0xFFFF  }
0xfb: {  	_ =	strace $0x9000004A  }
0xfc: {  	[bflag:$0x2] =	sbarrier.arrive $0xFFFF  }
0xfd: {  	p0 =	sne.s32 s1, $0x0;
	s0 =	rddreg [dreg:$0x3]  }
0xfe: {  	s0 =	sadd.s32 @!p0 $0x100000, s0  }
0xff: {  	[sflag:s0] =	ssyncadd.tile.s32 @!p0 $0x1;
	_ =	shalt  }
.Lfunc_end2:
_tile_overlayer_lowered:
.L_overlay_start_2:
0x100: {  	(tag) =	ssettag $0x2  }
0x101: {  	s0 =	rddreg [dreg:$0x0];
	s2 =	stileid.u32  }
0x102: {  	s1 =	rddreg [dreg:$0x1];
	p0 =	sne.s32 s2, $0x0  }
0x103: {  	s3 =	rddreg [dreg:$0x2];
	[bflag:$0x3] =	sbarrier.arrive $0xFFFF;
	s2 =	simm.s32 @!p0 $0x1C03  }
0x104: {  	[timem:s3], [sflag:s2] =	dma.local @!p0 [hbm:s0], s1  }
0x105: {  	s0 =	simm.s32 @!p0 $0x3  }
0x106: {  	_ =	swait.ge @!p0 [sflag:s0], s1  }
0x107: {  	s1 =	ssub.s32 @!p0 $0x0, s1;
	[sflag:s0] =	ssyncset.done @!p0 $0x0  }
0x108: {  	[sflag:s0] =	ssyncadd.s32 @!p0 s1  }
0x109: {  	[bflag:$0x3] =	sbarrier.arrive $0xFFFF  }
0x10a: {  	_ =	shalt  }

// kernel: kernel.14.cloned.1.call-start
scs
__scs_entry_jumppad:
0x0: {  	(pc) =	sbr.rel $0x88, $3  }
0x1: {  	(tag) =	ssettag $0x0;
	lr =	simm.s32 $0x1  }
0x2: {  	[smem:$0x3F99] =	sst lr;
	_ =	strace $0xD0000000  }
0x3: {  	_ = 	snop  }
0x4: {  	_ = 	snop  }
0x5: {  	_ = 	snop  }
0x6: {  	_ = 	snop  }
0x7: {  	_ = 	snop  }
__scs_overlays_trampoline_lowered:
0x8: {  	[smem:$0x3FA8] =	sst s0  }
0x9: {  	[smem:$0x3FA9] =	sst s1  }
0xa: {  	[smem:$0x3FAA] =	sst s2  }
0xb: {  	[smem:$0x3FAB] =	sst s3  }
0xc: {  	[smem:$0x3FAC] =	sst s4  }
0xd: {  	[smem:$0x3FAD] =	sst s5  }
0xe: {  	[smem:$0x3FAE] =	sst s6  }
0xf: {  	[smem:$0x3FAF] =	sst s7  }
0x10: {  	[smem:$0x3FB0] =	sst s8  }
0x11: {  	[smem:$0x3FB1] =	sst s9;
	s0 =	simm.s32 @!p0 $0x0  }
0x12: {  	s1 =	sld [smem:$0x3F97];
	s0 =	simm.s32 @p0 $0x1  }
0x13: {  	[smem:$0x3FB2] =	sst s0;
	s0 =	simm.s32 @!p1 $0x0  }
0x14: {  	s2 =	sld [smem:$0x3F96];
	s0 =	simm.s32 @p1 $0x1  }
0x15: {  	[smem:$0x3FB3] =	sst s0;
	s0 =	simm.s32 @!p2 $0x0  }
0x16: {  	s3 =	sld [smem:$0x3FDB];
	s0 =	simm.s32 @p2 $0x1  }
0x17: {  	s4 =	simm.s32 $0x1BF5;
	[smem:$0x3FB5] =	sst s0  }
0x18: {  	s0 =	sld [smem:$0x3F98];
	_ =	swait.ge [sflag:s4], $0x0  }
0x19: {  	s7 =	sld [smem:$0x3F99]  }
0x1a: {  	s8 =	sadd.s32 $0xFFFFE003, lr  }
0x1b: {  	s9 =	sadd.s32 $0xFFFFFEF7, lr;
	s5 =	simm.s32 $0xFFFFFFFF;
	p2 =	slt.u32 s8, $0xFFFFF086  }
0x1c: {  	p1 =	slt.u32 s9, $0xF7A;
	s5 =	simm.s32 @!p2 $0x0  }
0x1d: {  	s5 =	simm.s32 @p1 $0x1;
	p0 =	seq.s32 s7, s2  }
0x1e: {  	s7 =	smul.u32 @!p0 $0xF7A, s2;
	p2 =	seq.s32 @!p0 s5, $0x0  }
0x1f: {  	s9 =	smul.u32 $0xF7A, s1;
	s8 =	simm.s32 @!p0 $0x1BF5;
	p2 =	por !p2, p0  }
0x20: {  	[sflag:s8] =	ssyncset.s32 @!p0 $0xFFFFF086;
	s6 =	sadd.s32 @!p0 s3, s7;
	s7 =	simm.s32 @!p0 $0x108  }
0x21: {  	s3 =	sadd.s32 s3, s9;
	s6 =	sadd.s32 @!p0 $0x88, s6;
	s7 =	simm.s32 @p2 $0x1082  }
0x22: {  	[simem:s7], [sflag:s8] =	dma.local @!p0 [hbm:s6], $0xF7A  }
0x23: {  	s9 =	sor.u32 $0xD0000000, s2;
	s6 =	simm.s32 $0x108;
	_ =	swait.ge @!p0 [sflag:s8], $0x0  }
0x24: {  	s3 =	sadd.s32 $0x88, s3;
	s6 =	simm.s32 @!p1 $0x1082;
	[sflag:s4] =	ssyncset.s32 $0xFFFFF086  }
0x25: {  	[simem:s6], [sflag:s4] =	dma.local [hbm:s3], $0xF7A  }
0x26: {  	[smem:$0x3F99] =	sst s1;
	(tag) =	ssettag s2;
	_ =	strace s9  }
0x27: {  	s1 =	sld [smem:$0x3FA9]  }
0x28: {  	s2 =	sld [smem:$0x3FAA]  }
0x29: {  	s4 =	sld [smem:$0x3FAC]  }
0x2a: {  	p0 =	seq.s32 s5, $0x0;
	s5 =	sld [smem:$0x3FAD]  }
0x2b: {  	s6 =	sld [smem:$0x3FAE]  }
0x2c: {  	s7 =	sld [smem:$0x3FAF]  }
0x2d: {  	s3 =	simm.s32 $0x108;
	s8 =	sld [smem:$0x3FB0]  }
0x2e: {  	s3 =	simm.s32 @!p0 $0x1082;
	s9 =	sld [smem:$0x3FB1]  }
0x2f: {  	lr =	sadd.s32 s0, s3;
	s0 =	sld [smem:$0x3FA8]  }
0x30: {  	s3 =	sld [smem:$0x3FAB]  }
0x31: {  	[smem:$0x3FB4] =	sst s10  }
0x32: {  	s10 =	sld [smem:$0x3FB2];
	_ =	sdelay $0x3  }
0x33: {  	p0 =	seq.s32 s10, $0x1;
	s10 =	sld [smem:$0x3FB4];
	_ =	sdelay $0x3  }
0x34: {  	[smem:$0x3FB4] =	sst s10  }
0x35: {  	s10 =	sld [smem:$0x3FB3];
	_ =	sdelay $0x3  }
0x36: {  	p1 =	seq.s32 s10, $0x1;
	s10 =	sld [smem:$0x3FB4];
	_ =	sdelay $0x3  }
0x37: {  	[smem:$0x3FB4] =	sst s10  }
0x38: {  	s10 =	sld [smem:$0x3FB5]  }
0x39: {  	_ = 	snop;
	(pc) =	sbr.ind lr, $3  }
0x3a: {  	_ = 	snop  }
0x3b: {  	_ = 	snop  }
0x3c: {  	p2 =	seq.s32 s10, $0x1;
	s10 =	sld [smem:$0x3FB4]  }
0x3d: {  	_ =	shalt  }
0x3e: {  	_ =	shalt  }
0x3f: {  	_ =	shalt  }
0x40: {  	_ =	shalt  }
0x41: {  	_ =	shalt  }
0x42: {  	_ =	shalt  }
0x43: {  	_ =	shalt  }
0x44: {  	_ =	shalt  }
0x45: {  	_ =	shalt  }
0x46: {  	_ =	shalt  }
0x47: {  	_ =	shalt  }
0x48: {  	_ =	shalt  }
0x49: {  	_ =	shalt  }
0x4a: {  	_ =	shalt  }
0x4b: {  	_ =	shalt  }
0x4c: {  	_ =	shalt  }
0x4d: {  	_ =	shalt  }
0x4e: {  	_ =	shalt  }
0x4f: {  	_ =	shalt  }
0x50: {  	_ =	shalt  }
0x51: {  	_ =	shalt  }
0x52: {  	_ =	shalt  }
0x53: {  	_ =	shalt  }
0x54: {  	_ =	shalt  }
0x55: {  	_ =	shalt  }
0x56: {  	_ =	shalt  }
0x57: {  	_ =	shalt  }
0x58: {  	_ =	shalt  }
0x59: {  	_ =	shalt  }
0x5a: {  	_ =	shalt  }
0x5b: {  	_ =	shalt  }
0x5c: {  	_ =	shalt  }
0x5d: {  	_ =	shalt  }
0x5e: {  	_ =	shalt  }
0x5f: {  	_ =	shalt  }
0x60: {  	_ =	shalt  }
0x61: {  	_ =	shalt  }
0x62: {  	_ =	shalt  }
0x63: {  	_ =	shalt  }
0x64: {  	_ =	shalt  }
0x65: {  	_ =	shalt  }
0x66: {  	_ =	shalt  }
0x67: {  	_ =	shalt  }
0x68: {  	_ =	shalt  }
0x69: {  	_ =	shalt  }
0x6a: {  	_ =	shalt  }
0x6b: {  	_ =	shalt  }
0x6c: {  	_ =	shalt  }
0x6d: {  	_ =	shalt  }
0x6e: {  	_ =	shalt  }
0x6f: {  	_ =	shalt  }
0x70: {  	_ =	shalt  }
0x71: {  	_ =	shalt  }
0x72: {  	_ =	shalt  }
0x73: {  	_ =	shalt  }
0x74: {  	_ =	shalt  }
0x75: {  	_ =	shalt  }
0x76: {  	_ =	shalt  }
0x77: {  	_ =	shalt  }
0x78: {  	_ =	shalt  }
0x79: {  	_ =	shalt  }
0x7a: {  	_ =	shalt  }
0x7b: {  	_ =	shalt  }
0x7c: {  	_ =	shalt  }
0x7d: {  	_ =	shalt  }
0x7e: {  	_ =	shalt  }
0x7f: {  	_ =	shalt  }
0x80: {  	_ =	shalt  }
0x81: {  	_ =	shalt  }
0x82: {  	_ =	shalt  }
0x83: {  	_ =	shalt  }
0x84: {  	_ =	shalt  }
0x85: {  	_ =	shalt  }
0x86: {  	_ =	shalt  }
0x87: {  	_ =	shalt  }
.Lfunc_end0:
.L_simem_size_0:
called_computation.2_lowered:
.L_overlay_start_0:
0x88: {  	s2 =	sld [smem:$0x3FD9]  }
0x89: {  	s3 =	sld [smem:$0x3FFE];
	_ =	sdelay $0x1  }
0x8a: {  	s1 =	srdreg.scid  }
0x8b: {  	s0 =	sand.u32 $0x1, s1  }
0x8c: {  	s14 =	sshll.u32 s0, $0xA;
	s2 =	sadd.s32 s3, s2  }
0x8d: {  	s2 =	sadd.s32 s2, s14  }
0x8e: {  	[smem:$0x3FC0] =	sst s2  }
0x8f: {  	_ = 	snop  }
0x90: {  	s2 =	sld [smem:$0x3FD0];
	_ =	sdelay $0x2  }
0x91: {  	s15 =	simm.s32 $0xA;
	s4 =	simm.s32 $0x10  }
0x92: {  	[smem:s4], [sflag:s15] =	dma.local [hbm:s2], $0x1  }
0x93: {  	_ =	swait.eq [sflag:s15], $0x1  }
0x94: {  	[sflag:s15] =	ssyncset.done $0x0  }
0x95: {  	[sflag:s15] =	ssyncadd.s32 $0xFFFFFFFF  }
0x96: {  	s16 =	sld [smem:$0x11];
	(tm) =	ssettm $0x1  }
0x97: {  	s17 =	sld [smem:$0x3FFB];
	_ =	sdelay $0x3  }
0x98: {  	_ =	strace s17  }
0x99: {  	s3 =	sld [smem:$0x3FFC];
	_ =	sdelay $0x3  }
0x9a: {  	_ =	strace s3  }
0x9b: {  	s3 =	sld [smem:$0x3FFD];
	_ =	sdelay $0x3  }
0x9c: {  	_ =	strace s3  }
0x9d: {  	_ =	strace $0x8FFFFFFF  }
0x9e: {  	s18 =	sld [smem:$0x3FDB];
	_ =	sdelay $0x1  }
0x9f: {  	s19 =	simm.s32 $_scs_section_size  }
0xa0: {  	s5 =	simm.s32 $_size__tile_overlayer_lowered;
	s6 =	simm.s32 $_tile_overlayer_lowered  }
0xa1: {  	s22 =	simm.s32 $0x1BFF;
	s21 =	sshll.u32 s6, $0x1;
	s3 =	sadd.s32 s19, s18  }
0xa2: {  	s7 =	simm.s32 $0x0;
	s20 =	sshll.u32 s5, $0x1;
	s5 =	sadd.s32 s21, s3  }
0xa3: {  	[timem:s7], [sflag:s22] =	dma.local [hbm:s5], s20  }
0xa4: {  	_ =	swait.ge [sflag:s22], s20  }
0xa5: {  	s4 =	ssub.s32 $0x0, s20;
	[sflag:s22] =	ssyncset.done $0x0  }
0xa6: {  	[sflag:s22] =	ssyncadd.s32 s4;
	_ =	sdelay $0x1  }
0xa7: {  	s23 =	simm.s32 $0x1B8B  }
0xa8: {  	_ =	swait.ge [sflag:s23], $0x1  }
0xa9: {  	[sflag:s23] =	ssyncset.done $0x0  }
0xaa: {  	s25 =	simm.s32 $0x1B8E;
	s24 =	sld [smem:$0x3FFE];
	[sflag:s23] =	ssyncadd.s32 $0xFFFFFFFF  }
0xab: {  	s26 =	simm.s32 $execute0_lowered;
	[smem:$0x3FD2] =	sst s25  }
0xac: {  	s5 =	sshll.u32 s26, $0x1;
	_ =	strace $0x8000004C;
	[dreg:$0x1] =	wrdreg $0xFFFFFFFF  }
0xad: {  	s28 =	simm.s32 $_size_execute0_lowered;
	s3 =	sadd.s32 s3, s5;
	[dreg:$0x0] =	wrdreg $0x0  }
0xae: {  	s5 =	sshll.u32 s28, $0x1;
	[dreg:$0x2] =	wrdreg s3  }
0xaf: {  	[dreg:$0x3] =	wrdreg s5  }
0xb0: {  	[dreg:$0x4] =	wrdreg $0xC0  }
0xb1: {  	_ =	task [dreg:s7], $0x5FFFF  }
0xb2: {  	[dreg:$0x1] =	wrdreg $0xFFFFFFFF  }
0xb3: {  	[dreg:$0x0] =	wrdreg $0x60  }
0xb4: {  	[dreg:$0x2] =	wrdreg s24  }
0xb5: {  	[dreg:$0x3] =	wrdreg s16  }
0xb6: {  	[dreg:$0x4] =	wrdreg $0xBE000  }
0xb7: {  	[dreg:$0x5] =	wrdreg $0x9  }
0xb8: {  	_ =	task.clear_ibuf [dreg:s7], $0x6FFFF;
	_ =	strace $0x9000004C  }
0xb9: {  	s29 =	simm.s32 $0x9;
	_ =	strace $0x8000004E  }
0xba: {  	_ =	swait.ge [sflag:s29], $0x1  }
0xbb: {  	[sflag:s29] =	ssyncadd.s32 $0xFFFFFFFF  }
0xbc: {  	_ =	strace $0x9000004E  }
0xbd: {  	_ =	sfence  }
0xbe: {  	s30 =	sld [smem:$0x0];
	_ =	sdelay $0x2  }
0xbf: {  	s31 =	sshll.u32 s1, $0xD;
	s1 =	sshrl.u32 s1, $0x2  }
0xc0: {  	s3 =	sand.u32 $0x4000, s31;
	s1 =	sadd.s32 s1, s30  }
0xc1: {  	s0 =	sor.u32 s3, s0;
	s1 =	sshll.u32 s1, $0x11  }
0xc2: {  	s0 =	sor.u32 s1, s0  }
0xc3: {  	s0 =	sadd.s32 $0x8F2B, s0  }
0xc4: {  	[sflag:s0] =	ssyncadd.remote.s32 $0x1  }
0xc5: {  	_ =	sfence.sel $0xFFFF  }
0xc6: {  	[dreg:$0x0] =	wrdreg $0xFFFFFFFF;
	(pc) =	sbr.abs _section_cstart, $3  }
0xc7: {  	[dreg:$0x1] =	wrdreg $0xFFFFFFFF  }
0xc8: {  	_ =	task.clear_ibuf [dreg:s7], $0x2FFFF;
	_ =	strace $0x9FFFFFFF  }
0xc9: {  	(tm) =	ssettm $0x7FFFFFFF  }
tec
execute0_lowered:
.L_overlay_start_1:
0x0: {  	(tag) =	ssettag $0x1  }
0x1: {  	s0 =	rddreg [dreg:$0x0]  }
0x2: {  	s7 =	rddreg [dreg:$0x1]  }
0x3: {  	s1 =	srdreg.scid;
	s2 =	rddreg [dreg:$0x2]  }
0x4: {  	s3 =	simm.s32 $0x0;
	s17 =	simm.s32 $0x3;
	s18 =	simm.s32 $0x80  }
0x5: {  	s20 =	simm.s32 $0x3D00;
	s21 =	simm.s32 $0x7E00;
	s16 =	sand.u32 $0x1, s1  }
0x6: {  	s22 =	simm.s32 $0x1;
	s1 =	stileid.u32;
	s5 =	smul.u32 $0x140000, s16  }
0x7: {  	s23 =	simm.s32 $0x3C80;
	s24 =	simm.s32 $0x2;
	s6 =	smul.u32 $0x14000, s1  }
0x8: {  	s25 =	simm.s32 $0x3D80;
	[smem:$0x7FF] =	sst s3;
	s8 =	smul.u32 $0x280, s1  }
0x9: {  	s4 =	sadd.s32 $0x5E00, s0;
	_ =	strace $0x8000004D;
	s9 =	smul.u32 $0x50000, s1  }
0xa: {  	s29 =	ssub.s32 $0x2, s16;
	p0 =	seq.s32 s16, $0x0;
	s31 =	smul.u32 $0x780, s1  }
0xb: {  	s30 =	sshrl.u32 s29, $0x1;
	s5 =	sadd.s32 s6, s5;
	s28 =	sadd.s32 s8, s0  }
0xc: {  	s11 =	ssub.s32 s29, s30;
	s9 =	sshrl.u32 s9, $0x2;
	s6 =	simm.s32 $0x3B  }
0xd: {  	s7 =	sadd.s32 s7, s31;
	s5 =	sshrl.u32 s5, $0x3;
	s8 =	sadd.s32 s9, s2  }
0xe: {  	s6 =	simm.s32 @!p0 $0x14;
	s11 =	smax.u32 s11, $0x1;
	p0 =	sne.s32 s16, $0x0  }
0xf: {  	s16 =	simm.s32 $0x3E00;
	s0 =	sadd.s32 s5, s0;
	s5 =	sadd.s32 $0x3600, s28  }
0x10: {  	s9 =	sadd.s32 $0xFFFFFFFF, s6;
	s12 =	sadd.s32 $0x4000, s8;
	s13 =	sadd.s32 $0x8000, s8  }
0x11: {  	v0 =	vimm.f32 $0.0e+00;
	s14 =	sadd.s32 $0xC000, s8;
	s15 =	sadd.s32 $0x10000, s8;
	s10 =	sadd.s32 $0x2DE00, s0  }
.LBB2_1:
0x12: {  	s0 =	simm.s32 @p0 $0x0  }
0x13: {  	[tilespmem:s0], [sflag:$0x3] =	stream.linear.gather @p0 [hbm4b:s5+s0], $0x1400, $0x38;
	[tilespmem:$0x1FE00] =	vst v63  }
0x14: {  	s0 =	simm.s32 @p0 $0x3  }
0x15: {  	_ =	swait.ge @p0 [sflag:s0], $0x1400  }
0x16: {  	[sflag:s0] =	ssyncset.done @p0 $0x0  }
0x17: {  	s19 =	simm.s32 @!p0 $0x3;
	[sflag:s0] =	ssyncadd.s32 @p0 $0xFFFFEC00;
	s0 =	simm.s32 @!p0 $0x0  }
0x18: {  	[tilespmem:s0], [sflag:$0x3] =	stream.linear.gather @!p0 [hbm4b:s7+s0], $0x3B00, $0x38;
	[tilespmem:$0x1FE00] =	vst v63  }
0x19: {  	_ =	swait.ge @!p0 [sflag:s19], $0x3B00  }
0x1a: {  	[sflag:s19] =	ssyncset.done @!p0 $0x0  }
0x1b: {  	s0 =	simm.s32 @p0 $0x0;
	[sflag:s19] =	ssyncadd.s32 @!p0 $0xFFFFC500  }
.LBB2_2:
0x1c: {  	s19 =	sshra.s32 s0, $0x2  }
0x1d: {  	[tilespmem:s19+$0x3E00] =	vst v0  }
0x1e: {  	[tilespmem:s19+$0x3E10] =	vst v0  }
0x1f: {  	p1 =	seq.s32 s0, $0xFE00;
	[tilespmem:s19+$0x3E20] =	vst v0  }
.Ltmp0:
0x20: {  	[tilespmem:s19+$0x3E30] =	vst v0;
	(pc) =	sbr.rel @!p1 .LBB2_2-.Ltmp0, $4  }
0x21: {  	[tilespmem:s19+$0x3E40] =	vst v0  }
0x22: {  	[tilespmem:s19+$0x3E50] =	vst v0  }
0x23: {  	[tilespmem:s19+$0x3E60] =	vst v0  }
0x24: {  	s0 =	sadd.s32 $0x200, s0;
	[tilespmem:s19+$0x3E70] =	vst v0  }
0x25: {  	[spmem:s8] =	stream.linear.scatter [tilespmem:s16], [sflag:$0x3], $0x4000, $0x38;
	[tilespmem:$0x1FE00] =	vst v63  }
0x26: {  	_ =	swait.ge [sflag:s17], $0x4000  }
0x27: {  	[sflag:s17] =	ssyncset.done $0x0  }
0x28: {  	[sflag:s17] =	ssyncadd.s32 $0xFFFFC000  }
0x29: {  	[spmem:s12] =	stream.linear.scatter [tilespmem:s16], [sflag:$0x3], $0x4000, $0x38;
	[tilespmem:$0x1FE00] =	vst v63  }
0x2a: {  	_ =	swait.ge [sflag:s17], $0x4000  }
0x2b: {  	[sflag:s17] =	ssyncset.done $0x0  }
0x2c: {  	[sflag:s17] =	ssyncadd.s32 $0xFFFFC000  }
0x2d: {  	[spmem:s13] =	stream.linear.scatter [tilespmem:s16], [sflag:$0x3], $0x4000, $0x38;
	[tilespmem:$0x1FE00] =	vst v63  }
0x2e: {  	_ =	swait.ge [sflag:s17], $0x4000  }
0x2f: {  	[sflag:s17] =	ssyncset.done $0x0  }
0x30: {  	[sflag:s17] =	ssyncadd.s32 $0xFFFFC000  }
0x31: {  	[spmem:s14] =	stream.linear.scatter [tilespmem:s16], [sflag:$0x3], $0x4000, $0x38;
	[tilespmem:$0x1FE00] =	vst v63  }
0x32: {  	_ =	swait.ge [sflag:s17], $0x4000  }
0x33: {  	[sflag:s17] =	ssyncset.done $0x0  }
0x34: {  	[sflag:s17] =	ssyncadd.s32 $0xFFFFC000  }
0x35: {  	[spmem:s15] =	stream.linear.scatter [tilespmem:s16], [sflag:$0x3], $0x4000, $0x38;
	[tilespmem:$0x1FE00] =	vst v63  }
0x36: {  	_ =	swait.ge [sflag:s17], $0x4000  }
0x37: {  	[sflag:s17] =	ssyncset.done $0x0  }
0x38: {  	[sflag:s17] =	ssyncadd.s32 $0xFFFFC000  }
0x39: {  	[bflag:$0x0] =	sbarrier.arrive $0xFFFF  }
0x3a: {  	v1 =	vld [tilespmem:$0x0];
	_ =	sdelay $0x1  }
0x3b: {  	v2 =	vld [tilespmem:$0x10];
	_ =	sdelay $0x1  }
0x3c: {  	v3 =	vld [tilespmem:$0x20]  }
0x3d: {  	v4 =	vshrl.u32 v1, $0x10  }
0x3e: {  	v62 =	vld [tilespmem:$0x30];
	v1 =	vand.u32 $0xFFFF, v1;
	[tilespmem:$0x3C00] =	vst v4  }
0x3f: {  	[tilespmem:$0x3C80] =	vst v1;
	v1 =	vshrl.u32 v2, $0x10  }
0x40: {  	[tilespmem:$0x3C10] =	vst v1;
	v1 =	vand.u32 $0xFFFF, v2;
	v2 =	vld [tilespmem:$0x40]  }
0x41: {  	[tilespmem:$0x3C90] =	vst v1;
	v1 =	vshrl.u32 v3, $0x10  }
0x42: {  	[tilespmem:$0x3C20] =	vst v1;
	v1 =	vand.u32 $0xFFFF, v3;
	v3 =	vld [tilespmem:$0x50]  }
0x43: {  	[tilespmem:$0x3CA0] =	vst v1;
	v1 =	vshrl.u32 v62, $0x10  }
0x44: {  	v63 =	vld [tilespmem:$0x60];
	[tilespmem:$0x3C30] =	vst v1;
	v1 =	vand.u32 $0xFFFF, v62  }
0x45: {  	[tilespmem:$0x3CB0] =	vst v1;
	v1 =	vshrl.u32 v2, $0x10  }
0x46: {  	[tilespmem:$0x3C40] =	vst v1;
	v1 =	vand.u32 $0xFFFF, v2;
	v2 =	vld [tilespmem:$0x70]  }
0x47: {  	[tilespmem:$0x3CC0] =	vst v1;
	v1 =	vshrl.u32 v3, $0x10  }
0x48: {  	[tilespmem:$0x3C50] =	vst v1;
	v1 =	vand.u32 $0xFFFF, v3  }
0x49: {  	[tilespmem:$0x3CD0] =	vst v1;
	v1 =	vshrl.u32 v63, $0x10  }
0x4a: {  	[tilespmem:$0x3C60] =	vst v1;
	v1 =	vand.u32 $0xFFFF, v63  }
0x4b: {  	[tilespmem:$0x3CE0] =	vst v1;
	v1 =	vshrl.u32 v2, $0x10  }
0x4c: {  	[tilespmem:$0x3C70] =	vst v1;
	v1 =	vand.u32 $0xFFFF, v2  }
0x4d: {  	s0 =	simm.s32 $0x3C00;
	s26 =	simm.s32 $0xC0;
	[tilespmem:$0x3CF0] =	vst v1  }
0x4e: {  	[tilespmem:s16], [sflag:$0x1] =	stream.indirect.gather [hbm4b:s4+s18], $0x80, s0, s18, $0xb8;
	[tilespmem:$0x1FE00] =	vst v63  }
0x4f: {  	v1 =	vld [tilespmem:s26+$0xFFFFFFC0];
	_ =	sdelay $0x4  }
0x50: {  	v2 =	vshrl.u32 v1, $0x10  }
0x51: {  	v1 =	vand.u32 $0xFFFF, v1;
	[tilespmem:$0x3D00] =	vst v2  }
0x52: {  	[tilespmem:$0x3D80] =	vst v1  }
0x53: {  	v1 =	vld [tilespmem:s26+$0xFFFFFFD0];
	_ =	sdelay $0x4  }
0x54: {  	v2 =	vshrl.u32 v1, $0x10  }
0x55: {  	v1 =	vand.u32 $0xFFFF, v1;
	[tilespmem:$0x3D10] =	vst v2  }
0x56: {  	[tilespmem:$0x3D90] =	vst v1  }
0x57: {  	v1 =	vld [tilespmem:s26+$0xFFFFFFE0];
	_ =	sdelay $0x4  }
0x58: {  	v2 =	vshrl.u32 v1, $0x10  }
0x59: {  	v1 =	vand.u32 $0xFFFF, v1;
	[tilespmem:$0x3D20] =	vst v2  }
0x5a: {  	[tilespmem:$0x3DA0] =	vst v1  }
0x5b: {  	v1 =	vld [tilespmem:s26+$0xFFFFFFF0];
	_ =	sdelay $0x4  }
0x5c: {  	v2 =	vshrl.u32 v1, $0x10  }
0x5d: {  	v1 =	vand.u32 $0xFFFF, v1;
	[tilespmem:$0x3D30] =	vst v2  }
0x5e: {  	[tilespmem:$0x3DB0] =	vst v1  }
0x5f: {  	v1 =	vld [tilespmem:s26+$0x0];
	_ =	sdelay $0x4  }
0x60: {  	v2 =	vshrl.u32 v1, $0x10  }
0x61: {  	v1 =	vand.u32 $0xFFFF, v1;
	[tilespmem:$0x3D40] =	vst v2  }
0x62: {  	[tilespmem:$0x3DC0] =	vst v1  }
0x63: {  	v1 =	vld [tilespmem:s26+$0x10];
	_ =	sdelay $0x4  }
0x64: {  	v2 =	vshrl.u32 v1, $0x10  }
0x65: {  	v1 =	vand.u32 $0xFFFF, v1;
	[tilespmem:$0x3D50] =	vst v2  }
0x66: {  	[tilespmem:$0x3DD0] =	vst v1  }
0x67: {  	v1 =	vld [tilespmem:s26+$0x20];
	_ =	sdelay $0x4  }
0x68: {  	v2 =	vshrl.u32 v1, $0x10  }
0x69: {  	v1 =	vand.u32 $0xFFFF, v1;
	[tilespmem:$0x3D60] =	vst v2  }
0x6a: {  	[tilespmem:$0x3DE0] =	vst v1  }
0x6b: {  	v1 =	vld [tilespmem:s26+$0x30];
	_ =	sdelay $0x4  }
0x6c: {  	v2 =	vshrl.u32 v1, $0x10  }
0x6d: {  	v1 =	vand.u32 $0xFFFF, v1;
	[tilespmem:$0x3D70] =	vst v2  }
0x6e: {  	[tilespmem:$0x3DF0] =	vst v1  }
0x6f: {  	[tilespmem:s21], [sflag:$0x2] =	stream.indirect.gather [hbm4b:s4+s18], $0x80, s20, s18, $0xb8;
	[tilespmem:$0x1FE00] =	vst v63  }
0x70: {  	_ =	swait.ge [sflag:s22], $0x4000  }
0x71: {  	[sflag:s22] =	ssyncset.done $0x0  }
0x72: {  	[sflag:s22] =	ssyncadd.s32 $0xFFFFC000  }
0x73: {  	[spmem:s2] =	stream.indirect.scatter.add.f32 [tilespmem:s16], [sflag:$0x3], $0x80, s23, s18, $0xb8;
	[tilespmem:$0x1FE00] =	vst v63  }
0x74: {  	_ =	swait.ge [sflag:s17], $0x4000  }
0x75: {  	[sflag:s17] =	ssyncset.done $0x0  }
0x76: {  	p2 =	sle.u32 s9, $0x0;
	[sflag:s17] =	ssyncadd.s32 $0xFFFFC000  }
0x77: {  	v1 =	vld @!p2 [tilespmem:s26+$0x40];
	_ =	sdelay $0x4  }
0x78: {  	v2 =	vshrl.u32 @!p2 v1, $0x10  }
0x79: {  	v1 =	vand.u32 @!p2 $0xFFFF, v1;
	[tilespmem:$0x3C00] =	vst @!p2 v2  }
0x7a: {  	[tilespmem:$0x3C80] =	vst @!p2 v1  }
0x7b: {  	v1 =	vld @!p2 [tilespmem:s26+$0x50];
	_ =	sdelay $0x4  }
0x7c: {  	v2 =	vshrl.u32 @!p2 v1, $0x10  }
0x7d: {  	v1 =	vand.u32 @!p2 $0xFFFF, v1;
	[tilespmem:$0x3C10] =	vst @!p2 v2  }
0x7e: {  	[tilespmem:$0x3C90] =	vst @!p2 v1  }
0x7f: {  	v1 =	vld @!p2 [tilespmem:s26+$0x60];
	_ =	sdelay $0x4  }
0x80: {  	v2 =	vshrl.u32 @!p2 v1, $0x10  }
0x81: {  	v1 =	vand.u32 @!p2 $0xFFFF, v1;
	[tilespmem:$0x3C20] =	vst @!p2 v2  }
0x82: {  	[tilespmem:$0x3CA0] =	vst @!p2 v1  }
0x83: {  	v1 =	vld @!p2 [tilespmem:s26+$0x70];
	_ =	sdelay $0x4  }
0x84: {  	v2 =	vshrl.u32 @!p2 v1, $0x10  }
0x85: {  	v1 =	vand.u32 @!p2 $0xFFFF, v1;
	[tilespmem:$0x3C30] =	vst @!p2 v2  }
0x86: {  	[tilespmem:$0x3CB0] =	vst @!p2 v1  }
0x87: {  	v1 =	vld @!p2 [tilespmem:s26+$0x80];
	_ =	sdelay $0x4  }
0x88: {  	v2 =	vshrl.u32 @!p2 v1, $0x10  }
0x89: {  	v1 =	vand.u32 @!p2 $0xFFFF, v1;
	[tilespmem:$0x3C40] =	vst @!p2 v2  }
0x8a: {  	[tilespmem:$0x3CC0] =	vst @!p2 v1  }
0x8b: {  	v1 =	vld @!p2 [tilespmem:s26+$0x90];
	_ =	sdelay $0x4  }
0x8c: {  	v2 =	vshrl.u32 @!p2 v1, $0x10  }
0x8d: {  	v1 =	vand.u32 @!p2 $0xFFFF, v1;
	[tilespmem:$0x3C50] =	vst @!p2 v2  }
0x8e: {  	[tilespmem:$0x3CD0] =	vst @!p2 v1  }
0x8f: {  	v1 =	vld @!p2 [tilespmem:s26+$0xA0]  }
0x90: {  	p1 =	sne.s32 s6, $0x1  }
.Ltmp1:
0x91: {  	_ = 	snop;
	(pc) =	sbr.rel @!p1 .LBB2_5-.Ltmp1, $3  }
0x92: {  	_ =	sdelay $0x1  }
0x93: {  	s28 =	simm.s32 $0x1;
	s29 =	simm.s32 $0xC0;
	v2 =	vshrl.u32 @!p2 v1, $0x10  }
0x94: {  	s31 =	simm.s32 @!p2 $0x80;
	s19 =	simm.s32 @!p2 $0x3E00;
	s0 =	simm.s32 @!p2 $0x3C00;
	v1 =	vand.u32 @!p2 $0xFFFF, v1;
	[tilespmem:$0x3C60] =	vst @!p2 v2  }
.LBB2_4:
0x95: {  	[tilespmem:$0x3CE0] =	vst @!p2 v1;
	s29 =	sadd.s32 $0x100, s29;
	s30 =	smov.u32 s28;
	s28 =	sadd.s32 $0x1, s28  }
0x96: {  	p1 =	sne.s32 s6, s28;
	v1 =	vld @!p2 [tilespmem:s26+$0xB0];
	s26 =	smov.u32 s29;
	_ =	sdelay $0x4  }
0x97: {  	v2 =	vshrl.u32 @!p2 v1, $0x10;
	v1 =	vand.u32 @!p2 $0xFFFF, v1  }
0x98: {  	[tilespmem:$0x3C70] =	vst @!p2 v2  }
0x99: {  	[tilespmem:$0x3CF0] =	vst @!p2 v1  }
0x9a: {  	[tilespmem:s19], [sflag:$0x1] =	stream.indirect.gather @!p2 [hbm4b:s4+s31], $0x80, s0, s31, $0xb8;
	[tilespmem:$0x1FE00] =	vst v63  }
0x9b: {  	_ =	swait.ge [sflag:s24], $0x4000  }
0x9c: {  	[sflag:s24] =	ssyncset.done $0x0  }
0x9d: {  	[sflag:s24] =	ssyncadd.s32 $0xFFFFC000  }
0x9e: {  	[spmem:s2] =	stream.indirect.scatter.add.f32 [tilespmem:s21], [sflag:$0x3], $0x80, s25, s18, $0xb8;
	[tilespmem:$0x1FE00] =	vst v63  }
0x9f: {  	_ =	swait.ge [sflag:s17], $0x4000  }
0xa0: {  	[sflag:s17] =	ssyncset.done $0x0  }
0xa1: {  	[sflag:s17] =	ssyncadd.s32 $0xFFFFC000  }
0xa2: {  	v1 =	vld [tilespmem:s29+$0xFFFFFFC0];
	_ =	sdelay $0x4  }
0xa3: {  	v2 =	vshrl.u32 v1, $0x10;
	v1 =	vand.u32 $0xFFFF, v1  }
0xa4: {  	[tilespmem:$0x3D00] =	vst v2  }
0xa5: {  	[tilespmem:$0x3D80] =	vst v1  }
0xa6: {  	v1 =	vld [tilespmem:s29+$0xFFFFFFD0];
	_ =	sdelay $0x4  }
0xa7: {  	v2 =	vshrl.u32 v1, $0x10;
	v1 =	vand.u32 $0xFFFF, v1  }
0xa8: {  	[tilespmem:$0x3D10] =	vst v2  }
0xa9: {  	[tilespmem:$0x3D90] =	vst v1  }
0xaa: {  	v1 =	vld [tilespmem:s29+$0xFFFFFFE0];
	_ =	sdelay $0x4  }
0xab: {  	v2 =	vshrl.u32 v1, $0x10;
	v1 =	vand.u32 $0xFFFF, v1  }
0xac: {  	[tilespmem:$0x3D20] =	vst v2  }
0xad: {  	[tilespmem:$0x3DA0] =	vst v1  }
0xae: {  	v1 =	vld [tilespmem:s29+$0xFFFFFFF0];
	_ =	sdelay $0x4  }
0xaf: {  	v2 =	vshrl.u32 v1, $0x10;
	v1 =	vand.u32 $0xFFFF, v1  }
0xb0: {  	[tilespmem:$0x3D30] =	vst v2  }
0xb1: {  	[tilespmem:$0x3DB0] =	vst v1  }
0xb2: {  	v1 =	vld [tilespmem:s29+$0x0];
	_ =	sdelay $0x4  }
0xb3: {  	v2 =	vshrl.u32 v1, $0x10;
	v1 =	vand.u32 $0xFFFF, v1  }
0xb4: {  	[tilespmem:$0x3D40] =	vst v2  }
0xb5: {  	[tilespmem:$0x3DC0] =	vst v1  }
0xb6: {  	v1 =	vld [tilespmem:s29+$0x10];
	_ =	sdelay $0x4  }
0xb7: {  	v2 =	vshrl.u32 v1, $0x10;
	v1 =	vand.u32 $0xFFFF, v1  }
0xb8: {  	[tilespmem:$0x3D50] =	vst v2  }
0xb9: {  	[tilespmem:$0x3DD0] =	vst v1  }
0xba: {  	v1 =	vld [tilespmem:s29+$0x20];
	_ =	sdelay $0x4  }
0xbb: {  	v2 =	vshrl.u32 v1, $0x10;
	v1 =	vand.u32 $0xFFFF, v1  }
0xbc: {  	[tilespmem:$0x3D60] =	vst v2  }
0xbd: {  	[tilespmem:$0x3DE0] =	vst v1  }
0xbe: {  	v1 =	vld [tilespmem:s29+$0x30];
	_ =	sdelay $0x4  }
0xbf: {  	v2 =	vshrl.u32 v1, $0x10;
	v1 =	vand.u32 $0xFFFF, v1  }
0xc0: {  	[tilespmem:$0x3D70] =	vst v2  }
0xc1: {  	[tilespmem:$0x3DF0] =	vst v1  }
0xc2: {  	[tilespmem:s21], [sflag:$0x2] =	stream.indirect.gather [hbm4b:s4+s18], $0x80, s20, s18, $0xb8;
	[tilespmem:$0x1FE00] =	vst v63  }
0xc3: {  	_ =	swait.ge [sflag:s22], $0x4000  }
0xc4: {  	[sflag:s22] =	ssyncset.done $0x0  }
0xc5: {  	[sflag:s22] =	ssyncadd.s32 $0xFFFFC000  }
0xc6: {  	[spmem:s2] =	stream.indirect.scatter.add.f32 [tilespmem:s16], [sflag:$0x3], $0x80, s23, s18, $0xb8;
	[tilespmem:$0x1FE00] =	vst v63  }
0xc7: {  	_ =	swait.ge [sflag:s17], $0x4000  }
0xc8: {  	[sflag:s17] =	ssyncset.done $0x0  }
0xc9: {  	p2 =	sge.u32 s30, s9;
	[sflag:s17] =	ssyncadd.s32 $0xFFFFC000  }
0xca: {  	v1 =	vld @!p2 [tilespmem:s29+$0x40];
	_ =	sdelay $0x4  }
0xcb: {  	v2 =	vshrl.u32 @!p2 v1, $0x10;
	v1 =	vand.u32 @!p2 $0xFFFF, v1  }
0xcc: {  	[tilespmem:$0x3C00] =	vst @!p2 v2  }
0xcd: {  	[tilespmem:$0x3C80] =	vst @!p2 v1  }
0xce: {  	v1 =	vld @!p2 [tilespmem:s29+$0x50];
	_ =	sdelay $0x4  }
0xcf: {  	v2 =	vshrl.u32 @!p2 v1, $0x10;
	v1 =	vand.u32 @!p2 $0xFFFF, v1  }
0xd0: {  	[tilespmem:$0x3C10] =	vst @!p2 v2  }
0xd1: {  	[tilespmem:$0x3C90] =	vst @!p2 v1  }
0xd2: {  	v1 =	vld @!p2 [tilespmem:s29+$0x60];
	_ =	sdelay $0x4  }
0xd3: {  	v2 =	vshrl.u32 @!p2 v1, $0x10;
	v1 =	vand.u32 @!p2 $0xFFFF, v1  }
0xd4: {  	[tilespmem:$0x3C20] =	vst @!p2 v2  }
0xd5: {  	[tilespmem:$0x3CA0] =	vst @!p2 v1  }
0xd6: {  	v1 =	vld @!p2 [tilespmem:s29+$0x70];
	_ =	sdelay $0x4  }
0xd7: {  	v2 =	vshrl.u32 @!p2 v1, $0x10;
	v1 =	vand.u32 @!p2 $0xFFFF, v1  }
0xd8: {  	[tilespmem:$0x3C30] =	vst @!p2 v2  }
0xd9: {  	[tilespmem:$0x3CB0] =	vst @!p2 v1  }
0xda: {  	v1 =	vld @!p2 [tilespmem:s29+$0x80];
	_ =	sdelay $0x4  }
0xdb: {  	v2 =	vshrl.u32 @!p2 v1, $0x10;
	v1 =	vand.u32 @!p2 $0xFFFF, v1  }
0xdc: {  	[tilespmem:$0x3C40] =	vst @!p2 v2  }
0xdd: {  	[tilespmem:$0x3CC0] =	vst @!p2 v1  }
0xde: {  	v1 =	vld @!p2 [tilespmem:s29+$0x90];
	_ =	sdelay $0x4  }
0xdf: {  	v2 =	vshrl.u32 @!p2 v1, $0x10;
	v1 =	vand.u32 @!p2 $0xFFFF, v1  }
0xe0: {  	[tilespmem:$0x3C50] =	vst @!p2 v2  }
0xe1: {  	s31 =	simm.s32 @!p2 $0x80;
	s0 =	simm.s32 @!p2 $0x3C00;
	s19 =	simm.s32 @!p2 $0x3E00;
	[tilespmem:$0x3CD0] =	vst @!p2 v1  }
0xe2: {  	v1 =	vld @!p2 [tilespmem:s29+$0xA0];
	_ =	sdelay $0x1  }
.Ltmp2:
0xe3: {  	(pc) =	sbr.rel @p1 .LBB2_4-.Ltmp2, $3  }
0xe4: {  	_ =	sdelay $0x1  }
0xe5: {  	v2 =	vshrl.u32 @!p2 v1, $0x10;
	v1 =	vand.u32 @!p2 $0xFFFF, v1  }
0xe6: {  	[tilespmem:$0x3C60] =	vst @!p2 v2  }
.LBB2_5:
0xe7: {  	[tilespmem:$0x3CE0] =	vst @!p2 v1  }
0xe8: {  	v1 =	vld @!p2 [tilespmem:s26+$0xB0];
	_ =	sdelay $0x4  }
0xe9: {  	v2 =	vshrl.u32 @!p2 v1, $0x10  }
0xea: {  	v1 =	vand.u32 @!p2 $0xFFFF, v1;
	[tilespmem:$0x3C70] =	vst @!p2 v2  }
0xeb: {  	[tilespmem:$0x3CF0] =	vst @!p2 v1  }
0xec: {  	[tilespmem:s19], [sflag:$0x1] =	stream.indirect.gather @!p2 [hbm4b:s4+s31], $0x80, s0, s31, $0xb8;
	[tilespmem:$0x1FE00] =	vst v63  }
0xed: {  	_ =	swait.ge [sflag:s24], $0x4000  }
0xee: {  	[sflag:s24] =	ssyncset.done $0x0  }
0xef: {  	[sflag:s24] =	ssyncadd.s32 $0xFFFFC000  }
0xf0: {  	[spmem:s2] =	stream.indirect.scatter.add.f32 [tilespmem:s21], [sflag:$0x3], $0x80, s25, s18, $0xb8;
	[tilespmem:$0x1FE00] =	vst v63  }
0xf1: {  	_ =	swait.ge [sflag:s17], $0x4000  }
0xf2: {  	s30 =	sshll.u32 s1, $0x6;
	s3 =	sadd.s32 $0x1, s3;
	[sflag:s17] =	ssyncset.done $0x0  }
0xf3: {  	p1 =	sne.s32 s3, s11;
	s0 =	sor.u32 $0x1C03, s30;
	[sflag:s17] =	ssyncadd.s32 $0xFFFFC000  }
.Ltmp3:
0xf4: {  	s31 =	sshrl.u32 s8, $0x3;
	[bflag:$0x0] =	sbarrier.arrive $0xFFFF;
	(pc) =	sbr.rel @p1 .LBB2_1-.Ltmp3, $4  }
0xf5: {  	[hbm:s10], [sflag:s0] =	dma.local [spmem:s31], $0x2800  }
0xf6: {  	_ =	swait.ge [sflag:s17], $0x2800  }
0xf7: {  	[sflag:s17] =	ssyncset.done $0x0  }
0xf8: {  	[sflag:s17] =	ssyncadd.s32 $0xFFFFD800  }
0xf9: {  	_ =	sfence.sel $0x180000  }
0xfa: {  	[bflag:$0x0] =	sbarrier.arrive $0xFFFF  }
0xfb: {  	_ =	strace $0x9000004D  }
0xfc: {  	[bflag:$0x2] =	sbarrier.arrive $0xFFFF  }
0xfd: {  	p0 =	sne.s32 s1, $0x0;
	s0 =	rddreg [dreg:$0x3]  }
0xfe: {  	s0 =	sadd.s32 @!p0 $0x100000, s0  }
0xff: {  	[sflag:s0] =	ssyncadd.tile.s32 @!p0 $0x1;
	_ =	shalt  }
.Lfunc_end2:
_tile_overlayer_lowered:
.L_overlay_start_2:
0x100: {  	(tag) =	ssettag $0x2  }
0x101: {  	s0 =	rddreg [dreg:$0x0];
	s2 =	stileid.u32  }
0x102: {  	s1 =	rddreg [dreg:$0x1];
	p0 =	sne.s32 s2, $0x0  }
0x103: {  	s3 =	rddreg [dreg:$0x2];
	[bflag:$0x3] =	sbarrier.arrive $0xFFFF;
	s2 =	simm.s32 @!p0 $0x1C03  }
0x104: {  	[timem:s3], [sflag:s2] =	dma.local @!p0 [hbm:s0], s1  }
0x105: {  	s0 =	simm.s32 @!p0 $0x3  }
0x106: {  	_ =	swait.ge @!p0 [sflag:s0], s1  }
0x107: {  	s1 =	ssub.s32 @!p0 $0x0, s1;
	[sflag:s0] =	ssyncset.done @!p0 $0x0  }
0x108: {  	[sflag:s0] =	ssyncadd.s32 @!p0 s1  }
0x109: {  	[bflag:$0x3] =	sbarrier.arrive $0xFFFF  }
0x10a: {  	_ =	shalt  }

// kernel: kernel.8.cloned.1.call-start
scs
__scs_entry_jumppad:
0x0: {  	(pc) =	sbr.rel $0x88, $3  }
0x1: {  	(tag) =	ssettag $0x0;
	lr =	simm.s32 $0x1  }
0x2: {  	[smem:$0x3F99] =	sst lr;
	_ =	strace $0xD0000000  }
0x3: {  	_ = 	snop  }
0x4: {  	_ = 	snop  }
0x5: {  	_ = 	snop  }
0x6: {  	_ = 	snop  }
0x7: {  	_ = 	snop  }
__scs_overlays_trampoline_lowered:
0x8: {  	[smem:$0x3FA8] =	sst s0  }
0x9: {  	[smem:$0x3FA9] =	sst s1  }
0xa: {  	[smem:$0x3FAA] =	sst s2  }
0xb: {  	[smem:$0x3FAB] =	sst s3  }
0xc: {  	[smem:$0x3FAC] =	sst s4  }
0xd: {  	[smem:$0x3FAD] =	sst s5  }
0xe: {  	[smem:$0x3FAE] =	sst s6  }
0xf: {  	[smem:$0x3FAF] =	sst s7  }
0x10: {  	[smem:$0x3FB0] =	sst s8  }
0x11: {  	[smem:$0x3FB1] =	sst s9;
	s0 =	simm.s32 @!p0 $0x0  }
0x12: {  	s1 =	sld [smem:$0x3F97];
	s0 =	simm.s32 @p0 $0x1  }
0x13: {  	[smem:$0x3FB2] =	sst s0;
	s0 =	simm.s32 @!p1 $0x0  }
0x14: {  	s2 =	sld [smem:$0x3F96];
	s0 =	simm.s32 @p1 $0x1  }
0x15: {  	[smem:$0x3FB3] =	sst s0;
	s0 =	simm.s32 @!p2 $0x0  }
0x16: {  	s3 =	sld [smem:$0x3FDB];
	s0 =	simm.s32 @p2 $0x1  }
0x17: {  	s4 =	simm.s32 $0x1BF5;
	[smem:$0x3FB5] =	sst s0  }
0x18: {  	s0 =	sld [smem:$0x3F98];
	_ =	swait.ge [sflag:s4], $0x0  }
0x19: {  	s7 =	sld [smem:$0x3F99]  }
0x1a: {  	s8 =	sadd.s32 $0xFFFFE003, lr  }
0x1b: {  	s9 =	sadd.s32 $0xFFFFFEF7, lr;
	s5 =	simm.s32 $0xFFFFFFFF;
	p2 =	slt.u32 s8, $0xFFFFF086  }
0x1c: {  	p1 =	slt.u32 s9, $0xF7A;
	s5 =	simm.s32 @!p2 $0x0  }
0x1d: {  	s5 =	simm.s32 @p1 $0x1;
	p0 =	seq.s32 s7, s2  }
0x1e: {  	s7 =	smul.u32 @!p0 $0xF7A, s2;
	p2 =	seq.s32 @!p0 s5, $0x0  }
0x1f: {  	s9 =	smul.u32 $0xF7A, s1;
	s8 =	simm.s32 @!p0 $0x1BF5;
	p2 =	por !p2, p0  }
0x20: {  	[sflag:s8] =	ssyncset.s32 @!p0 $0xFFFFF086;
	s6 =	sadd.s32 @!p0 s3, s7;
	s7 =	simm.s32 @!p0 $0x108  }
0x21: {  	s3 =	sadd.s32 s3, s9;
	s6 =	sadd.s32 @!p0 $0x88, s6;
	s7 =	simm.s32 @p2 $0x1082  }
0x22: {  	[simem:s7], [sflag:s8] =	dma.local @!p0 [hbm:s6], $0xF7A  }
0x23: {  	s9 =	sor.u32 $0xD0000000, s2;
	s6 =	simm.s32 $0x108;
	_ =	swait.ge @!p0 [sflag:s8], $0x0  }
0x24: {  	s3 =	sadd.s32 $0x88, s3;
	s6 =	simm.s32 @!p1 $0x1082;
	[sflag:s4] =	ssyncset.s32 $0xFFFFF086  }
0x25: {  	[simem:s6], [sflag:s4] =	dma.local [hbm:s3], $0xF7A  }
0x26: {  	[smem:$0x3F99] =	sst s1;
	(tag) =	ssettag s2;
	_ =	strace s9  }
0x27: {  	s1 =	sld [smem:$0x3FA9]  }
0x28: {  	s2 =	sld [smem:$0x3FAA]  }
0x29: {  	s4 =	sld [smem:$0x3FAC]  }
0x2a: {  	p0 =	seq.s32 s5, $0x0;
	s5 =	sld [smem:$0x3FAD]  }
0x2b: {  	s6 =	sld [smem:$0x3FAE]  }
0x2c: {  	s7 =	sld [smem:$0x3FAF]  }
0x2d: {  	s3 =	simm.s32 $0x108;
	s8 =	sld [smem:$0x3FB0]  }
0x2e: {  	s3 =	simm.s32 @!p0 $0x1082;
	s9 =	sld [smem:$0x3FB1]  }
0x2f: {  	lr =	sadd.s32 s0, s3;
	s0 =	sld [smem:$0x3FA8]  }
0x30: {  	s3 =	sld [smem:$0x3FAB]  }
0x31: {  	[smem:$0x3FB4] =	sst s10  }
0x32: {  	s10 =	sld [smem:$0x3FB2];
	_ =	sdelay $0x3  }
0x33: {  	p0 =	seq.s32 s10, $0x1;
	s10 =	sld [smem:$0x3FB4];
	_ =	sdelay $0x3  }
0x34: {  	[smem:$0x3FB4] =	sst s10  }
0x35: {  	s10 =	sld [smem:$0x3FB3];
	_ =	sdelay $0x3  }
0x36: {  	p1 =	seq.s32 s10, $0x1;
	s10 =	sld [smem:$0x3FB4];
	_ =	sdelay $0x3  }
0x37: {  	[smem:$0x3FB4] =	sst s10  }
0x38: {  	s10 =	sld [smem:$0x3FB5]  }
0x39: {  	_ = 	snop;
	(pc) =	sbr.ind lr, $3  }
0x3a: {  	_ = 	snop  }
0x3b: {  	_ = 	snop  }
0x3c: {  	p2 =	seq.s32 s10, $0x1;
	s10 =	sld [smem:$0x3FB4]  }
0x3d: {  	_ =	shalt  }
0x3e: {  	_ =	shalt  }
0x3f: {  	_ =	shalt  }
0x40: {  	_ =	shalt  }
0x41: {  	_ =	shalt  }
0x42: {  	_ =	shalt  }
0x43: {  	_ =	shalt  }
0x44: {  	_ =	shalt  }
0x45: {  	_ =	shalt  }
0x46: {  	_ =	shalt  }
0x47: {  	_ =	shalt  }
0x48: {  	_ =	shalt  }
0x49: {  	_ =	shalt  }
0x4a: {  	_ =	shalt  }
0x4b: {  	_ =	shalt  }
0x4c: {  	_ =	shalt  }
0x4d: {  	_ =	shalt  }
0x4e: {  	_ =	shalt  }
0x4f: {  	_ =	shalt  }
0x50: {  	_ =	shalt  }
0x51: {  	_ =	shalt  }
0x52: {  	_ =	shalt  }
0x53: {  	_ =	shalt  }
0x54: {  	_ =	shalt  }
0x55: {  	_ =	shalt  }
0x56: {  	_ =	shalt  }
0x57: {  	_ =	shalt  }
0x58: {  	_ =	shalt  }
0x59: {  	_ =	shalt  }
0x5a: {  	_ =	shalt  }
0x5b: {  	_ =	shalt  }
0x5c: {  	_ =	shalt  }
0x5d: {  	_ =	shalt  }
0x5e: {  	_ =	shalt  }
0x5f: {  	_ =	shalt  }
0x60: {  	_ =	shalt  }
0x61: {  	_ =	shalt  }
0x62: {  	_ =	shalt  }
0x63: {  	_ =	shalt  }
0x64: {  	_ =	shalt  }
0x65: {  	_ =	shalt  }
0x66: {  	_ =	shalt  }
0x67: {  	_ =	shalt  }
0x68: {  	_ =	shalt  }
0x69: {  	_ =	shalt  }
0x6a: {  	_ =	shalt  }
0x6b: {  	_ =	shalt  }
0x6c: {  	_ =	shalt  }
0x6d: {  	_ =	shalt  }
0x6e: {  	_ =	shalt  }
0x6f: {  	_ =	shalt  }
0x70: {  	_ =	shalt  }
0x71: {  	_ =	shalt  }
0x72: {  	_ =	shalt  }
0x73: {  	_ =	shalt  }
0x74: {  	_ =	shalt  }
0x75: {  	_ =	shalt  }
0x76: {  	_ =	shalt  }
0x77: {  	_ =	shalt  }
0x78: {  	_ =	shalt  }
0x79: {  	_ =	shalt  }
0x7a: {  	_ =	shalt  }
0x7b: {  	_ =	shalt  }
0x7c: {  	_ =	shalt  }
0x7d: {  	_ =	shalt  }
0x7e: {  	_ =	shalt  }
0x7f: {  	_ =	shalt  }
0x80: {  	_ =	shalt  }
0x81: {  	_ =	shalt  }
0x82: {  	_ =	shalt  }
0x83: {  	_ =	shalt  }
0x84: {  	_ =	shalt  }
0x85: {  	_ =	shalt  }
0x86: {  	_ =	shalt  }
0x87: {  	_ =	shalt  }
.Lfunc_end0:
.L_simem_size_0:
called_computation_lowered:
.L_overlay_start_0:
0x88: {  	s2 =	sld [smem:$0x3FD9]  }
0x89: {  	s3 =	sld [smem:$0x3FFE];
	_ =	sdelay $0x1  }
0x8a: {  	s1 =	srdreg.scid  }
0x8b: {  	s0 =	sand.u32 $0x1, s1  }
0x8c: {  	s14 =	sshll.u32 s0, $0xA;
	s2 =	sadd.s32 s3, s2  }
0x8d: {  	s2 =	sadd.s32 s2, s14  }
0x8e: {  	[smem:$0x3FC0] =	sst s2  }
0x8f: {  	_ = 	snop  }
0x90: {  	s2 =	sld [smem:$0x3FD0];
	_ =	sdelay $0x2  }
0x91: {  	s15 =	simm.s32 $0xA;
	s4 =	simm.s32 $0x10  }
0x92: {  	[smem:s4], [sflag:s15] =	dma.local [hbm:s2], $0x1  }
0x93: {  	_ =	swait.eq [sflag:s15], $0x1  }
0x94: {  	[sflag:s15] =	ssyncset.done $0x0  }
0x95: {  	[sflag:s15] =	ssyncadd.s32 $0xFFFFFFFF  }
0x96: {  	s16 =	sld [smem:$0x10];
	(tm) =	ssettm $0x1  }
0x97: {  	s17 =	sld [smem:$0x3FFB];
	_ =	sdelay $0x3  }
0x98: {  	_ =	strace s17  }
0x99: {  	s3 =	sld [smem:$0x3FFC];
	_ =	sdelay $0x3  }
0x9a: {  	_ =	strace s3  }
0x9b: {  	s3 =	sld [smem:$0x3FFD];
	_ =	sdelay $0x3  }
0x9c: {  	_ =	strace s3  }
0x9d: {  	_ =	strace $0x8FFFFFFF  }
0x9e: {  	s18 =	sld [smem:$0x3FDB];
	_ =	sdelay $0x1  }
0x9f: {  	s19 =	simm.s32 $_scs_section_size  }
0xa0: {  	s5 =	simm.s32 $_size__tile_overlayer_lowered;
	s6 =	simm.s32 $_tile_overlayer_lowered  }
0xa1: {  	s22 =	simm.s32 $0x1BFF;
	s21 =	sshll.u32 s6, $0x1;
	s3 =	sadd.s32 s19, s18  }
0xa2: {  	s7 =	simm.s32 $0x0;
	s20 =	sshll.u32 s5, $0x1;
	s5 =	sadd.s32 s21, s3  }
0xa3: {  	[timem:s7], [sflag:s22] =	dma.local [hbm:s5], s20  }
0xa4: {  	_ =	swait.ge [sflag:s22], s20  }
0xa5: {  	s4 =	ssub.s32 $0x0, s20;
	[sflag:s22] =	ssyncset.done $0x0  }
0xa6: {  	[sflag:s22] =	ssyncadd.s32 s4;
	_ =	sdelay $0x1  }
0xa7: {  	s23 =	simm.s32 $0x1B8B  }
0xa8: {  	_ =	swait.ge [sflag:s23], $0x1  }
0xa9: {  	[sflag:s23] =	ssyncset.done $0x0  }
0xaa: {  	s25 =	simm.s32 $0x1B8E;
	s24 =	sld [smem:$0x3FFE];
	[sflag:s23] =	ssyncadd.s32 $0xFFFFFFFF  }
0xab: {  	s26 =	simm.s32 $execute0_lowered;
	[smem:$0x3FD2] =	sst s25  }
0xac: {  	s5 =	sshll.u32 s26, $0x1;
	_ =	strace $0x80000046;
	[dreg:$0x1] =	wrdreg $0xFFFFFFFF  }
0xad: {  	s28 =	simm.s32 $_size_execute0_lowered;
	s3 =	sadd.s32 s3, s5;
	[dreg:$0x0] =	wrdreg $0x0  }
0xae: {  	s5 =	sshll.u32 s28, $0x1;
	[dreg:$0x2] =	wrdreg s3  }
0xaf: {  	[dreg:$0x3] =	wrdreg s5  }
0xb0: {  	[dreg:$0x4] =	wrdreg $0xC0  }
0xb1: {  	_ =	task [dreg:s7], $0x5FFFF  }
0xb2: {  	[dreg:$0x1] =	wrdreg $0xFFFFFFFF  }
0xb3: {  	[dreg:$0x0] =	wrdreg $0x60  }
0xb4: {  	[dreg:$0x2] =	wrdreg s16  }
0xb5: {  	[dreg:$0x3] =	wrdreg s24  }
0xb6: {  	[dreg:$0x4] =	wrdreg $0x2B000  }
0xb7: {  	[dreg:$0x5] =	wrdreg $0x9  }
0xb8: {  	_ =	task.clear_ibuf [dreg:s7], $0x6FFFF;
	_ =	strace $0x90000046  }
0xb9: {  	s29 =	simm.s32 $0x9;
	_ =	strace $0x80000048  }
0xba: {  	_ =	swait.ge [sflag:s29], $0x1  }
0xbb: {  	[sflag:s29] =	ssyncadd.s32 $0xFFFFFFFF  }
0xbc: {  	_ =	strace $0x90000048  }
0xbd: {  	_ =	sfence  }
0xbe: {  	s30 =	sld [smem:$0x0];
	_ =	sdelay $0x2  }
0xbf: {  	s31 =	sshll.u32 s1, $0xD;
	s1 =	sshrl.u32 s1, $0x2  }
0xc0: {  	s3 =	sand.u32 $0x4000, s31;
	s1 =	sadd.s32 s1, s30  }
0xc1: {  	s0 =	sor.u32 s3, s0;
	s1 =	sshll.u32 s1, $0x11  }
0xc2: {  	s0 =	sor.u32 s1, s0  }
0xc3: {  	s0 =	sadd.s32 $0x8F2B, s0  }
0xc4: {  	[sflag:s0] =	ssyncadd.remote.s32 $0x1  }
0xc5: {  	_ =	sfence.sel $0xFFFF  }
0xc6: {  	[dreg:$0x0] =	wrdreg $0xFFFFFFFF;
	(pc) =	sbr.abs _section_cstart, $3  }
0xc7: {  	[dreg:$0x1] =	wrdreg $0xFFFFFFFF  }
0xc8: {  	_ =	task.clear_ibuf [dreg:s7], $0x2FFFF;
	_ =	strace $0x9FFFFFFF  }
0xc9: {  	(tm) =	ssettm $0x7FFFFFFF  }
tec
execute0_lowered:
.L_overlay_start_1:
0x0: {  	(tag) =	ssettag $0x1  }
0x1: {  	s4 =	rddreg [dreg:$0x0]  }
0x2: {  	s5 =	rddreg [dreg:$0x1]  }
0x3: {  	s2 =	rddreg [dreg:$0x2]  }
0x4: {  	s0 =	rddreg [dreg:$0x3]  }
0x5: {  	s3 =	simm.s32 $0x0;
	s6 =	srdreg.scid;
	s1 =	stileid.u32  }
0x6: {  	s11 =	simm.s32 $0x2800;
	s14 =	simm.s32 $0x20;
	s15 =	simm.s32 $0x10  }
0x7: {  	s16 =	simm.s32 $0x0;
	[smem:$0x7FF] =	sst s3;
	s7 =	smul.u32 $0x500, s1  }
0x8: {  	s6 =	sand.u32 $0x1, s6;
	s30 =	smul.u32 $0xA00, s1;
	s12 =	sshll.u32 s1, $0x6  }
0x9: {  	_ =	strace $0x80000047;
	s8 =	sshll.u32 s6, $0x7;
	s9 =	sshll.u32 s6, $0x4  }
0xa: {  	s6 =	ssub.s32 $0x2, s6;
	s12 =	sor.u32 $0x1C01, s12;
	s7 =	sor.u32 s8, s7  }
0xb: {  	s29 =	sor.u32 s1, s9;
	s31 =	sshrl.u32 s6, $0x1;
	s9 =	sshrl.u32 s30, $0x2  }
0xc: {  	s7 =	sshrl.u32 s7, $0x3;
	s8 =	smul.u32 $0x500, s29;
	s10 =	ssub.s32 s6, s31  }
0xd: {  	s7 =	sadd.s32 s7, s5;
	s5 =	sadd.s32 s9, s2;
	s9 =	simm.s32 $0x2880  }
0xe: {  	s4 =	sadd.s32 s4, s8;
	s6 =	sadd.s32 $0x2C00, s7;
	s7 =	smax.u32 s10, $0x1  }
0xf: {  	v0 =	vimm.f32 $1.000000000e+00;
	v1 =	vimm.f32 $0.0e+00;
	s8 =	simm.s32 $0x1;
	s10 =	simm.s32 $0x80;
	s13 =	sshrl.u32 s5, $0x3  }
.LBB2_1:
0x10: {  	[tilespmem:s3], [sflag:$0x1] =	stream.linear.gather [hbm4b:s4+s3], $0x2800, $0x38;
	[tilespmem:$0x2D80] =	vst v63  }
0x11: {  	_ =	swait.ge [sflag:s8], $0x2800  }
0x12: {  	[sflag:s8] =	ssyncset.done $0x0  }
0x13: {  	[sflag:s8] =	ssyncadd.s32 $0xFFFFD800  }
0x14: {  	[tilespmem:$0x2800] =	vst v0  }
0x15: {  	[tilespmem:$0x2810] =	vst v0  }
0x16: {  	[tilespmem:$0x2820] =	vst v0  }
0x17: {  	[tilespmem:$0x2830] =	vst v0  }
0x18: {  	[tilespmem:$0x2840] =	vst v0  }
0x19: {  	[tilespmem:$0x2850] =	vst v0  }
0x1a: {  	[tilespmem:$0x2860] =	vst v0  }
0x1b: {  	[tilespmem:$0x2870] =	vst v0  }
0x1c: {  	[tilespmem:$0x2880] =	vst v1  }
0x1d: {  	[tilespmem:$0x2890] =	vst v1  }
0x1e: {  	[tilespmem:$0x28A0] =	vst v1  }
0x1f: {  	[tilespmem:$0x28B0] =	vst v1  }
0x20: {  	[tilespmem:$0x28C0] =	vst v1  }
0x21: {  	[tilespmem:$0x28D0] =	vst v1  }
0x22: {  	[tilespmem:$0x28E0] =	vst v1  }
0x23: {  	[tilespmem:$0x28F0] =	vst v1  }
0x24: {  	[tilespmem:$0x2900] =	vst v1  }
0x25: {  	[tilespmem:$0x2910] =	vst v1  }
0x26: {  	[tilespmem:$0x2920] =	vst v1  }
0x27: {  	[tilespmem:$0x2930] =	vst v1  }
0x28: {  	[tilespmem:$0x2940] =	vst v1  }
0x29: {  	[tilespmem:$0x2950] =	vst v1  }
0x2a: {  	[tilespmem:$0x2960] =	vst v1  }
0x2b: {  	[tilespmem:$0x2970] =	vst v1  }
0x2c: {  	[tilespmem:$0x2980] =	vst v1  }
0x2d: {  	[tilespmem:$0x2990] =	vst v1  }
0x2e: {  	[tilespmem:$0x29A0] =	vst v1  }
0x2f: {  	[tilespmem:$0x29B0] =	vst v1  }
0x30: {  	[tilespmem:$0x29C0] =	vst v1  }
0x31: {  	[tilespmem:$0x29D0] =	vst v1  }
0x32: {  	[tilespmem:$0x29E0] =	vst v1  }
0x33: {  	[tilespmem:$0x29F0] =	vst v1  }
0x34: {  	[tilespmem:$0x2A00] =	vst v1  }
0x35: {  	[tilespmem:$0x2A10] =	vst v1  }
0x36: {  	[tilespmem:$0x2A20] =	vst v1  }
0x37: {  	[tilespmem:$0x2A30] =	vst v1  }
0x38: {  	[tilespmem:$0x2A40] =	vst v1  }
0x39: {  	[tilespmem:$0x2A50] =	vst v1  }
0x3a: {  	[tilespmem:$0x2A60] =	vst v1  }
0x3b: {  	[tilespmem:$0x2A70] =	vst v1  }
0x3c: {  	[tilespmem:$0x2A80] =	vst v1  }
0x3d: {  	[tilespmem:$0x2A90] =	vst v1  }
0x3e: {  	[tilespmem:$0x2AA0] =	vst v1  }
0x3f: {  	[tilespmem:$0x2AB0] =	vst v1  }
0x40: {  	[tilespmem:$0x2AC0] =	vst v1  }
0x41: {  	[tilespmem:$0x2AD0] =	vst v1  }
0x42: {  	[tilespmem:$0x2AE0] =	vst v1  }
0x43: {  	[tilespmem:$0x2AF0] =	vst v1  }
0x44: {  	[spmem:s5] =	stream.linear.scatter [tilespmem:s9], [sflag:$0x1], $0x280, $0x38;
	[tilespmem:$0x2D80] =	vst v63  }
0x45: {  	_ =	swait.ge [sflag:s8], $0x280  }
0x46: {  	[sflag:s8] =	ssyncset.done $0x0  }
0x47: {  	[sflag:s8] =	ssyncadd.s32 $0xFFFFFD80  }
0x48: {  	s17 =	simm.s32 $0x0;
	[bflag:$0x0] =	sbarrier.arrive $0xFFFF  }
0x49: {  	[spmem:s2] =	stream.indirect.scatter.add.f32 [tilespmem:s11], [sflag:$0x1], $0x1, s17, s10, $0xb8;
	[tilespmem:$0x2D80] =	vst v63  }
0x4a: {  	_ =	swait.ge [sflag:s8], $0x80  }
0x4b: {  	s17 =	simm.s32 $0x200;
	[sflag:s8] =	ssyncset.done $0x0  }
.LBB2_2:
0x4c: {  	s18 =	sshra.s32 s17, $0x2;
	[sflag:s8] =	ssyncadd.s32 $0xFFFFFF80;
	p0 =	sne.s32 s17, $0x9E00  }
0x4d: {  	[spmem:s2] =	stream.indirect.scatter.add.f32 [tilespmem:s11], [sflag:$0x1], $0x1, s18, s10, $0xb8;
	[tilespmem:$0x2D80] =	vst v63  }
.Ltmp0:
0x4e: {  	_ = 	snop;
	(pc) =	sbr.rel @p0 .LBB2_2-.Ltmp0, $4  }
0x4f: {  	_ = 	snop  }
0x50: {  	s17 =	sadd.s32 $0x200, s17  }
0x51: {  	_ =	swait.ge [sflag:s8], $0x80  }
0x52: {  	[sflag:s8] =	ssyncset.done $0x0  }
0x53: {  	s16 =	sadd.s32 $0x1, s16  }
0x54: {  	[sflag:s8] =	ssyncadd.s32 $0xFFFFFF80;
	p0 =	sne.s32 s16, s7  }
.Ltmp1:
0x55: {  	[bflag:$0x0] =	sbarrier.arrive $0xFFFF;
	(pc) =	sbr.rel @p0 .LBB2_1-.Ltmp1, $4  }
0x56: {  	[hbm:s6@s14], [sflag:s12] =	dma.strided [spmem:s13@s15], $0x50, s8, $0x10   }
0x57: {  	_ =	swait.ge [sflag:s8], $0x50  }
0x58: {  	[sflag:s8] =	ssyncset.done $0x0  }
0x59: {  	[sflag:s8] =	ssyncadd.s32 $0xFFFFFFB0  }
0x5a: {  	_ =	sfence.sel $0x180000  }
0x5b: {  	[bflag:$0x0] =	sbarrier.arrive $0xFFFF  }
0x5c: {  	p0 =	sne.s32 s1, $0x0;
	_ =	strace $0x90000047  }
0x5d: {  	s0 =	sadd.s32 @!p0 $0x100000, s0;
	[bflag:$0x2] =	sbarrier.arrive $0xFFFF  }
0x5e: {  	[sflag:s0] =	ssyncadd.tile.s32 @!p0 $0x1;
	_ =	shalt  }
.Lfunc_end2:
_tile_overlayer_lowered:
.L_overlay_start_2:
0x5f: {  	(tag) =	ssettag $0x2  }
0x60: {  	s0 =	rddreg [dreg:$0x0];
	s2 =	stileid.u32  }
0x61: {  	s1 =	rddreg [dreg:$0x1];
	p0 =	sne.s32 s2, $0x0  }
0x62: {  	s3 =	rddreg [dreg:$0x2];
	[bflag:$0x3] =	sbarrier.arrive $0xFFFF;
	s2 =	simm.s32 @!p0 $0x1C01  }
0x63: {  	[timem:s3], [sflag:s2] =	dma.local @!p0 [hbm:s0], s1  }
0x64: {  	s0 =	simm.s32 @!p0 $0x1  }
0x65: {  	_ =	swait.ge @!p0 [sflag:s0], s1  }
0x66: {  	s1 =	ssub.s32 @!p0 $0x0, s1;
	[sflag:s0] =	ssyncset.done @!p0 $0x0  }
0x67: {  	[sflag:s0] =	ssyncadd.s32 @!p0 s1  }
0x68: {  	[bflag:$0x3] =	sbarrier.arrive $0xFFFF  }
0x69: {  	_ =	shalt  }

</sc_bundles>
